<compile_context>
chip_gen: v7x
topology: tpu7x:2x2x1
jax: 0.10.2.dev20260603
libtpu: 0.0.44.dev20260713+nightly
codegen_flags: <defaults>
</compile_context>

<pallas_src>
import functools

import jax
import jax.numpy as jnp
from jax import lax
from jax.experimental import pallas as pl
from jax.experimental.pallas import tpu as pltpu
from jax.experimental.pallas import tpu_sc as plsc

N_NODES = 10000
N_EDGES = 320000
NC = 2
NS = 16
NW = NC * NS
NPAD = 10112
ROWS_PER_TILE = NPAD // NS
E_TILE = N_EDGES // NW
CHUNK = 128
NCHUNK = 79
DEG_W = 8

_mesh = plsc.VectorSubcoreMesh(core_axis_name="c", subcore_axis_name="s")
_sc_params = pltpu.CompilerParams(use_tc_tiling_on_sc=False)


def _worker_id():
    return lax.axis_index("s") * NC + lax.axis_index("c")


def _deg_body(dst_hbm, ones_hbm, zero_hbm, deg_hbm, dst_v, ones_v, acc):
    cid = lax.axis_index("c")
    sid = lax.axis_index("s")
    wid = _worker_id()
    pltpu.sync_copy(dst_hbm.at[wid], dst_v)
    pltpu.sync_copy(ones_hbm, ones_v)
    r0 = sid * ROWS_PER_TILE
    pltpu.sync_copy(zero_hbm.at[pl.ds(r0, ROWS_PER_TILE)],
                    acc.at[pl.ds(r0, ROWS_PER_TILE)])
    plsc.subcore_barrier()

    def body(j, carry):
        pltpu.sync_copy(ones_v, acc.at[dst_v.at[j]], add=True)
        return carry

    lax.fori_loop(0, NCHUNK, body, 0)
    plsc.subcore_barrier()
    pltpu.sync_copy(acc.at[pl.ds(r0, ROWS_PER_TILE)],
                    deg_hbm.at[cid, pl.ds(r0, ROWS_PER_TILE)])


def _make_deg_kernel():
    return functools.partial(
        pl.kernel,
        mesh=_mesh,
        out_type=jax.ShapeDtypeStruct((NC, NPAD, DEG_W), jnp.float32),
        compiler_params=_sc_params,
        scratch_types=[
            pltpu.VMEM((NCHUNK, CHUNK), jnp.int32),
            pltpu.VMEM((CHUNK, DEG_W), jnp.float32),
            pltpu.VMEM_SHARED((NPAD, DEG_W), jnp.float32),
        ],
    )(_deg_body)


def _agg_body(width, src_hbm, dst_hbm, g_hbm, zero_hbm, out_hbm,
              src_v, dst_v, buf, acc, gtab, gsem):
    cid = lax.axis_index("c")
    sid = lax.axis_index("s")
    wid = _worker_id()
    pltpu.sync_copy(src_hbm.at[wid], src_v)
    pltpu.sync_copy(dst_hbm.at[wid], dst_v)
    r0 = sid * ROWS_PER_TILE
    pltpu.sync_copy(zero_hbm.at[pl.ds(r0, ROWS_PER_TILE)],
                    acc.at[pl.ds(r0, ROWS_PER_TILE)])
    pltpu.sync_copy(g_hbm.at[pl.ds(r0, ROWS_PER_TILE)],
                    gtab.at[pl.ds(r0, ROWS_PER_TILE)])
    plsc.subcore_barrier()

    def body(j, carry):
        pltpu.async_copy(gtab.at[src_v.at[j]], buf, gsem).wait()
        pltpu.sync_copy(buf, acc.at[dst_v.at[j]], add=True)
        return carry

    lax.fori_loop(0, NCHUNK, body, 0)
    plsc.subcore_barrier()
    pltpu.sync_copy(acc.at[pl.ds(r0, ROWS_PER_TILE)],
                    out_hbm.at[cid, pl.ds(r0, ROWS_PER_TILE)])


def _make_agg_kernel(width):
    return functools.partial(
        pl.kernel,
        mesh=_mesh,
        out_type=jax.ShapeDtypeStruct((NC, NPAD, width), jnp.float32),
        compiler_params=_sc_params,
        scratch_types=[
            pltpu.VMEM((NCHUNK, CHUNK), jnp.int32),
            pltpu.VMEM((NCHUNK, CHUNK), jnp.int32),
            pltpu.VMEM((CHUNK, width), jnp.float32),
            pltpu.VMEM_SHARED((NPAD, width), jnp.float32),
            pltpu.VMEM_SHARED((NPAD, width), jnp.float32),
            pltpu.SemaphoreType.DMA,
        ],
    )(functools.partial(_agg_body, width))


def _layer1_tc(x_ref, w_ref, degp_ref, g_ref, dis_ref):
    deg = degp_ref[0, :, 0:1] + degp_ref[1, :, 0:1] + 1.0
    dis = lax.rsqrt(deg)
    h = jnp.dot(x_ref[...], w_ref[...], preferred_element_type=jnp.float32)
    g_ref[...] = h * dis
    dis_ref[...] = dis


def _layer2_tc(p_ref, g1_ref, dis_ref, b1_ref, w2_ref, g2_ref):
    s = (p_ref[0] + p_ref[1] + g1_ref[...]) * dis_ref[...] + b1_ref[...]
    z = jnp.maximum(s, 0.0)
    h2 = jnp.dot(z, w2_ref[...], preferred_element_type=jnp.float32)
    g2_ref[...] = h2 * dis_ref[...]


def _finish_tc(q_ref, g2_ref, dis_ref, b2_ref, o_ref):
    o_ref[...] = (q_ref[0] + q_ref[1] + g2_ref[...]) * dis_ref[...] + b2_ref[...]


def kernel(x, edge_index, W1, b1, W2, b2):
    f32 = jnp.float32
    hidden = W1.shape[1]
    out_ch = W2.shape[1]

    ei = edge_index.astype(jnp.int32)

    def per_tile(a):
        a = a.reshape(NW, E_TILE)
        head = a[:, : 78 * CHUNK].reshape(NW, 78, CHUNK)
        tail = a[:, 78 * CHUNK:]
        tail = jnp.pad(tail, ((0, 0), (0, CHUNK - tail.shape[1])),
                       constant_values=N_NODES)
        return jnp.concatenate([head, tail[:, None, :]], axis=1)

    srcp = per_tile(ei[0])
    dstp = per_tile(ei[1])
    xp = jnp.pad(x, ((0, NPAD - N_NODES), (0, 0)))

    ones8 = jnp.ones((CHUNK, DEG_W), f32)
    z8 = jnp.zeros((NPAD, DEG_W), f32)
    zh = jnp.zeros((NPAD, hidden), f32)
    zo = jnp.zeros((NPAD, out_ch), f32)

    degp = _make_deg_kernel()(dstp, ones8, z8)

    g1, dis = pl.pallas_call(
        _layer1_tc,
        out_shape=[
            jax.ShapeDtypeStruct((NPAD, hidden), f32),
            jax.ShapeDtypeStruct((NPAD, 1), f32),
        ],
    )(xp, W1, degp)

    P = _make_agg_kernel(hidden)(srcp, dstp, g1, zh)

    g2 = pl.pallas_call(
        _layer2_tc,
        out_shape=jax.ShapeDtypeStruct((NPAD, out_ch), f32),
    )(P, g1, dis, b1[None, :], W2)

    Q = _make_agg_kernel(out_ch)(srcp, dstp, g2, zo)

    out = pl.pallas_call(
        _finish_tc,
        out_shape=jax.ShapeDtypeStruct((NPAD, out_ch), f32),
    )(Q, g2, dis, b2[None, :])

    return out[:N_NODES]

# --- scband reference (transcript-rebuilt; emitter-appended) ---
"""Pipeline reference for scband-gcnencoder-91130616086748 (READ-ONLY COPY).

The authoritative reference and input builder live on the scoring server;
editing this copy changes nothing except your own understanding.
"""

import jax, jax.numpy as jnp
import numpy as np

IN_CHANNELS = 128
OUT_CHANNELS = 32
HIDDEN = 2 * OUT_CHANNELS  # 64
N_NODES = 10000
N_EDGES = 320000


def setup_inputs(seed: int = 0) -> dict:
    key = jax.random.key(seed)
    k1, k2, k3, k4, k5, k6 = jax.random.split(key, 6)
    x = jax.random.normal(k1, (N_NODES, IN_CHANNELS), dtype=jnp.float32)
    edge_index = jax.random.randint(k2, (2, N_EDGES), 0, N_NODES, dtype=jnp.int64)
    # GCNConv weights (glorot-style init) and biases
    W1 = jax.random.normal(k3, (IN_CHANNELS, HIDDEN), dtype=jnp.float32) * (1.0 / np.sqrt(IN_CHANNELS))
    b1 = jnp.zeros((HIDDEN,), dtype=jnp.float32)
    W2 = jax.random.normal(k4, (HIDDEN, OUT_CHANNELS), dtype=jnp.float32) * (1.0 / np.sqrt(HIDDEN))
    b2 = jnp.zeros((OUT_CHANNELS,), dtype=jnp.float32)
    return {"x": x, "edge_index": edge_index, "W1": W1, "b1": b1, "W2": W2, "b2": b2}


def _gcn_conv(x, edge_index, W, b):
    """GCNConv: symmetric-normalized adjacency with self-loops.
    out = D^{-1/2} (A + I) D^{-1/2} (x @ W) + b
    """
    n = x.shape[0]
    loop = jnp.arange(n, dtype=edge_index.dtype)
    src = jnp.concatenate([edge_index[0], loop])
    dst = jnp.concatenate([edge_index[1], loop])
    # degree of each node (in-degree w/ self-loops, matching PyG default flow)
    deg = jnp.zeros((n,), dtype=jnp.float32).at[dst].add(1.0)
    deg_inv_sqrt = jnp.where(deg > 0, jax.lax.rsqrt(deg), 0.0)
    norm = deg_inv_sqrt[src] * deg_inv_sqrt[dst]
    h = x @ W
    msg = jnp.take(h, src, axis=0) * norm[:, None]
    out = jnp.zeros((n, W.shape[1]), dtype=h.dtype).at[dst].add(msg)
    return out + b


def reference(x, edge_index, W1, b1, W2, b2):
    h = _gcn_conv(x, edge_index, W1, b1)
    h = jax.nn.relu(h)
    out = _gcn_conv(h, edge_index, W2, b2)
    return out

if __name__ == "__main__":
    import jax
    _d = setup_inputs()
    print(jax.jit(kernel)(*tuple(_d.values())))

</pallas_src>

<mosaic_0001>
#map = affine_map<(d0, d1) -> (0, 0, 0)>
#map1 = affine_map<(d0, d1) -> (0, 0)>
module attributes {stable_mosaic.version = 14 : i64} {
  func.func @_deg_body(%arg0: i32, %arg1: i32, %arg2: memref<32x79x128xi32, #tpu.memory_space<hbm>>, %arg3: memref<128x8xf32, #tpu.memory_space<hbm>>, %arg4: memref<10112x8xf32, #tpu.memory_space<hbm>>, %arg5: memref<2x10112x8xf32, #tpu.memory_space<hbm>>, %arg6: memref<79x128xi32, #tpu.memory_space<vmem>>, %arg7: memref<128x8xf32, #tpu.memory_space<vmem>>, %arg8: memref<10112x8xf32, #tpu.memory_space<vmem_shared>>) attributes {dimension_semantics = [#tpu.dimension_semantics<core_parallel>, #tpu.dimension_semantics<subcore_parallel>], iteration_bounds = array<i64: 2, 16>, scalar_prefetch = 0 : i64, scratch_operands = 3 : i64, tpu.core_type = #tpu.core_type<sc_vector_subcore>, window_params = [{transform_indices = #map}, {transform_indices = #map1}, {transform_indices = #map1}, {transform_indices = #map}]} {
    %mul3A = arith.constant 2 : i32
    %mul3A_0 = arith.muli %arg1, %mul3A : i32
    %add3A = arith.addi %mul3A_0, %arg0 : i32
    "tpu.region"() ({
      %run_scoped3A = tpu.sem_alloc : memref<!tpu.dma_semaphore, #tpu.memory_space<semaphore_mem>>
      %dma_start3A = arith.constant 0 : i32
      %dma_start3A_9 = arith.constant 0 : i32
      %dma_start3A_10 = tpu.memref_slice %arg2[%add3A, %dma_start3A, %dma_start3A_9] : memref<32x79x128xi32, #tpu.memory_space<hbm>> -> memref<1x79x128xi32, #tpu.memory_space<hbm>>
      %dma_start3A_11 = tpu.memref_squeeze %dma_start3A_10 : memref<1x79x128xi32, #tpu.memory_space<hbm>> -> memref<79x128xi32, #tpu.memory_space<hbm>>
      %dma_start3A_12 = arith.constant 0 : i32
      %dma_start3A_13 = arith.constant 0 : i32
      %dma_start3A_14 = tpu.memref_slice %arg2[%add3A, %dma_start3A_12, %dma_start3A_13] : memref<32x79x128xi32, #tpu.memory_space<hbm>> -> memref<1x79x128xi32, #tpu.memory_space<hbm>>
      %dma_start3A_15 = tpu.memref_squeeze %dma_start3A_14 : memref<1x79x128xi32, #tpu.memory_space<hbm>> -> memref<79x128xi32, #tpu.memory_space<hbm>>
      tpu.enqueue_dma source(%dma_start3A_15 : memref<79x128xi32, #tpu.memory_space<hbm>>) target(%arg6 : memref<79x128xi32, #tpu.memory_space<vmem>>) target_semaphore(%run_scoped3A : memref<!tpu.dma_semaphore, #tpu.memory_space<semaphore_mem>>)
      %dma_wait3A = arith.constant 0 : i32
      %dma_wait3A_16 = arith.constant 0 : i32
      %dma_wait3A_17 = tpu.memref_slice %arg2[%add3A, %dma_wait3A, %dma_wait3A_16] : memref<32x79x128xi32, #tpu.memory_space<hbm>> -> memref<1x79x128xi32, #tpu.memory_space<hbm>>
      %dma_wait3A_18 = tpu.memref_squeeze %dma_wait3A_17 : memref<1x79x128xi32, #tpu.memory_space<hbm>> -> memref<79x128xi32, #tpu.memory_space<hbm>>
      %dma_wait3A_19 = arith.constant 0 : i32
      %dma_wait3A_20 = arith.constant 0 : i32
      %dma_wait3A_21 = tpu.memref_slice %arg2[%add3A, %dma_wait3A_19, %dma_wait3A_20] : memref<32x79x128xi32, #tpu.memory_space<hbm>> -> memref<1x79x128xi32, #tpu.memory_space<hbm>>
      %dma_wait3A_22 = tpu.memref_squeeze %dma_wait3A_21 : memref<1x79x128xi32, #tpu.memory_space<hbm>> -> memref<79x128xi32, #tpu.memory_space<hbm>>
      tpu.wait_dma2 semaphore(%run_scoped3A : memref<!tpu.dma_semaphore, #tpu.memory_space<semaphore_mem>>) src(%dma_wait3A_22 : memref<79x128xi32, #tpu.memory_space<hbm>>) dst(%arg6 : memref<79x128xi32, #tpu.memory_space<vmem>>)
      tpu.yield
    }) : () -> ()
    "tpu.region"() ({
      %run_scoped3A = tpu.sem_alloc : memref<!tpu.dma_semaphore, #tpu.memory_space<semaphore_mem>>
      tpu.enqueue_dma source(%arg3 : memref<128x8xf32, #tpu.memory_space<hbm>>) target(%arg7 : memref<128x8xf32, #tpu.memory_space<vmem>>) target_semaphore(%run_scoped3A : memref<!tpu.dma_semaphore, #tpu.memory_space<semaphore_mem>>)
      tpu.wait_dma2 semaphore(%run_scoped3A : memref<!tpu.dma_semaphore, #tpu.memory_space<semaphore_mem>>) src(%arg3 : memref<128x8xf32, #tpu.memory_space<hbm>>) dst(%arg7 : memref<128x8xf32, #tpu.memory_space<vmem>>)
      tpu.yield
    }) : () -> ()
    %mul3A_1 = arith.constant 632 : i32
    %mul3A_2 = arith.muli %arg1, %mul3A_1 : i32
    "tpu.region"() ({
      %run_scoped3A = tpu.sem_alloc : memref<!tpu.dma_semaphore, #tpu.memory_space<semaphore_mem>>
      %dma_start3A = arith.constant 0 : i32
      %dma_start3A_9 = tpu.memref_slice %arg8[%mul3A_2, %dma_start3A] : memref<10112x8xf32, #tpu.memory_space<vmem_shared>> -> memref<632x8xf32, #tpu.memory_space<vmem_shared>>
      %dma_start3A_10 = arith.constant 0 : i32
      %dma_start3A_11 = tpu.memref_slice %arg4[%mul3A_2, %dma_start3A_10] : memref<10112x8xf32, #tpu.memory_space<hbm>> -> memref<632x8xf32, #tpu.memory_space<hbm>>
      tpu.enqueue_dma source(%dma_start3A_11 : memref<632x8xf32, #tpu.memory_space<hbm>>) target(%dma_start3A_9 : memref<632x8xf32, #tpu.memory_space<vmem_shared>>) target_semaphore(%run_scoped3A : memref<!tpu.dma_semaphore, #tpu.memory_space<semaphore_mem>>)
      %dma_wait3A = arith.constant 0 : i32
      %dma_wait3A_12 = tpu.memref_slice %arg8[%mul3A_2, %dma_wait3A] : memref<10112x8xf32, #tpu.memory_space<vmem_shared>> -> memref<632x8xf32, #tpu.memory_space<vmem_shared>>
      %dma_wait3A_13 = arith.constant 0 : i32
      %dma_wait3A_14 = tpu.memref_slice %arg4[%mul3A_2, %dma_wait3A_13] : memref<10112x8xf32, #tpu.memory_space<hbm>> -> memref<632x8xf32, #tpu.memory_space<hbm>>
      tpu.wait_dma2 semaphore(%run_scoped3A : memref<!tpu.dma_semaphore, #tpu.memory_space<semaphore_mem>>) src(%dma_wait3A_14 : memref<632x8xf32, #tpu.memory_space<hbm>>) dst(%dma_wait3A_12 : memref<632x8xf32, #tpu.memory_space<vmem_shared>>)
      tpu.yield
    }) : () -> ()
    %barrier3A = arith.constant 0 : index
    tpu.barrier barrier_id(%barrier3A)
    %scan3A = arith.constant 0 : i32
    %scan3A_3 = arith.constant 0 : i32
    %scan3A_4 = arith.constant 79 : i32
    %scan3A_5 = arith.addi %scan3A_3, %scan3A_4 : i32
    %scan3A_6 = arith.constant 1 : i32
    scf.for %scan3A_9 = %scan3A_3 to %scan3A_5 step %scan3A_6  : i32 {
      "tpu.region"() ({
        %run_scoped3A = tpu.sem_alloc : memref<!tpu.dma_semaphore, #tpu.memory_space<semaphore_mem>>
        %dma_start3A = arith.constant 0 : i32
        %dma_start3A_10 = tpu.memref_slice %arg6[%scan3A_9, %dma_start3A] : memref<79x128xi32, #tpu.memory_space<vmem>> -> memref<1x128xi32, #tpu.memory_space<vmem>>
        %dma_start3A_11 = tpu.memref_squeeze %dma_start3A_10 : memref<1x128xi32, #tpu.memory_space<vmem>> -> memref<128xi32, #tpu.memory_space<vmem>>
        %dma_start3A_12 = arith.constant 0 : i32
        %dma_start3A_13 = arith.constant 0 : i32
        %dma_start3A_14 = tpu.memref_slice %arg8[%dma_start3A_12, %dma_start3A_13] : memref<10112x8xf32, #tpu.memory_space<vmem_shared>> -> memref<10112x8xf32, #tpu.memory_space<vmem_shared>>
        tpu.enqueue_indirect_dma source(%arg7 : memref<128x8xf32, #tpu.memory_space<vmem>>) target(%dma_start3A_14 : memref<10112x8xf32, #tpu.memory_space<vmem_shared>>) offsets(%dma_start3A_11 : memref<128xi32, #tpu.memory_space<vmem>>) semaphore(%run_scoped3A : memref<!tpu.dma_semaphore, #tpu.memory_space<semaphore_mem>>) {add = true}
        %dma_wait3A = arith.constant 0 : i32
        %dma_wait3A_15 = tpu.memref_slice %arg6[%scan3A_9, %dma_wait3A] : memref<79x128xi32, #tpu.memory_space<vmem>> -> memref<1x128xi32, #tpu.memory_space<vmem>>
        %dma_wait3A_16 = tpu.memref_squeeze %dma_wait3A_15 : memref<1x128xi32, #tpu.memory_space<vmem>> -> memref<128xi32, #tpu.memory_space<vmem>>
        %dma_wait3A_17 = arith.constant 0 : i32
        %dma_wait3A_18 = arith.constant 0 : i32
        %dma_wait3A_19 = tpu.memref_slice %arg8[%dma_wait3A_17, %dma_wait3A_18] : memref<10112x8xf32, #tpu.memory_space<vmem_shared>> -> memref<10112x8xf32, #tpu.memory_space<vmem_shared>>
        tpu.wait_indirect_dma semaphore(%run_scoped3A : memref<!tpu.dma_semaphore, #tpu.memory_space<semaphore_mem>>) src(%arg7 : memref<128x8xf32, #tpu.memory_space<vmem>>) dst(%dma_wait3A_19 : memref<10112x8xf32, #tpu.memory_space<vmem_shared>>)
        tpu.yield
      }) : () -> ()
    }
    %scan3A_7 = arith.constant 79 : i32
    %barrier3A_8 = arith.constant 0 : index
    tpu.barrier barrier_id(%barrier3A_8)
    "tpu.region"() ({
      %run_scoped3A = tpu.sem_alloc : memref<!tpu.dma_semaphore, #tpu.memory_space<semaphore_mem>>
      %dma_start3A = arith.constant 0 : i32
      %dma_start3A_9 = tpu.memref_slice %arg5[%arg0, %mul3A_2, %dma_start3A] : memref<2x10112x8xf32, #tpu.memory_space<hbm>> -> memref<1x632x8xf32, #tpu.memory_space<hbm>>
      %dma_start3A_10 = tpu.memref_squeeze %dma_start3A_9 : memref<1x632x8xf32, #tpu.memory_space<hbm>> -> memref<632x8xf32, #tpu.memory_space<hbm>>
      %dma_start3A_11 = arith.constant 0 : i32
      %dma_start3A_12 = tpu.memref_slice %arg8[%mul3A_2, %dma_start3A_11] : memref<10112x8xf32, #tpu.memory_space<vmem_shared>> -> memref<632x8xf32, #tpu.memory_space<vmem_shared>>
      tpu.enqueue_dma source(%dma_start3A_12 : memref<632x8xf32, #tpu.memory_space<vmem_shared>>) target(%dma_start3A_10 : memref<632x8xf32, #tpu.memory_space<hbm>>) target_semaphore(%run_scoped3A : memref<!tpu.dma_semaphore, #tpu.memory_space<semaphore_mem>>)
      %dma_wait3A = arith.constant 0 : i32
      %dma_wait3A_13 = tpu.memref_slice %arg5[%arg0, %mul3A_2, %dma_wait3A] : memref<2x10112x8xf32, #tpu.memory_space<hbm>> -> memref<1x632x8xf32, #tpu.memory_space<hbm>>
      %dma_wait3A_14 = tpu.memref_squeeze %dma_wait3A_13 : memref<1x632x8xf32, #tpu.memory_space<hbm>> -> memref<632x8xf32, #tpu.memory_space<hbm>>
      %dma_wait3A_15 = arith.constant 0 : i32
      %dma_wait3A_16 = tpu.memref_slice %arg8[%mul3A_2, %dma_wait3A_15] : memref<10112x8xf32, #tpu.memory_space<vmem_shared>> -> memref<632x8xf32, #tpu.memory_space<vmem_shared>>
      tpu.wait_dma2 semaphore(%run_scoped3A : memref<!tpu.dma_semaphore, #tpu.memory_space<semaphore_mem>>) src(%dma_wait3A_16 : memref<632x8xf32, #tpu.memory_space<vmem_shared>>) dst(%dma_wait3A_14 : memref<632x8xf32, #tpu.memory_space<hbm>>)
      tpu.yield
    }) : () -> ()
    return
  }
}

#map = affine_map<(d0, d1) -> (0, 0, 0)>
#map1 = affine_map<(d0, d1) -> (0, 0)>
module attributes {stable_mosaic.version = 14 : i64} {
  func.func @_agg_body(%arg0: i32, %arg1: i32, %arg2: memref<32x79x128xi32, #tpu.memory_space<hbm>>, %arg3: memref<32x79x128xi32, #tpu.memory_space<hbm>>, %arg4: memref<10112x32xf32, #tpu.memory_space<hbm>>, %arg5: memref<10112x32xf32, #tpu.memory_space<hbm>>, %arg6: memref<2x10112x32xf32, #tpu.memory_space<hbm>>, %arg7: memref<79x128xi32, #tpu.memory_space<vmem>>, %arg8: memref<79x128xi32, #tpu.memory_space<vmem>>, %arg9: memref<128x32xf32, #tpu.memory_space<vmem>>, %arg10: memref<10112x32xf32, #tpu.memory_space<vmem_shared>>, %arg11: memref<10112x32xf32, #tpu.memory_space<vmem_shared>>, %arg12: memref<!tpu.dma_semaphore, #tpu.memory_space<semaphore_mem>>) attributes {dimension_semantics = [#tpu.dimension_semantics<core_parallel>, #tpu.dimension_semantics<subcore_parallel>], iteration_bounds = array<i64: 2, 16>, scalar_prefetch = 0 : i64, scratch_operands = 6 : i64, tpu.core_type = #tpu.core_type<sc_vector_subcore>, window_params = [{transform_indices = #map}, {transform_indices = #map}, {transform_indices = #map1}, {transform_indices = #map1}, {transform_indices = #map}]} {
    %mul3A = arith.constant 2 : i32
    %mul3A_0 = arith.muli %arg1, %mul3A : i32
    %add3A = arith.addi %mul3A_0, %arg0 : i32
    "tpu.region"() ({
      %run_scoped3A = tpu.sem_alloc : memref<!tpu.dma_semaphore, #tpu.memory_space<semaphore_mem>>
      %dma_start3A = arith.constant 0 : i32
      %dma_start3A_9 = arith.constant 0 : i32
      %dma_start3A_10 = tpu.memref_slice %arg2[%add3A, %dma_start3A, %dma_start3A_9] : memref<32x79x128xi32, #tpu.memory_space<hbm>> -> memref<1x79x128xi32, #tpu.memory_space<hbm>>
      %dma_start3A_11 = tpu.memref_squeeze %dma_start3A_10 : memref<1x79x128xi32, #tpu.memory_space<hbm>> -> memref<79x128xi32, #tpu.memory_space<hbm>>
      %dma_start3A_12 = arith.constant 0 : i32
      %dma_start3A_13 = arith.constant 0 : i32
      %dma_start3A_14 = tpu.memref_slice %arg2[%add3A, %dma_start3A_12, %dma_start3A_13] : memref<32x79x128xi32, #tpu.memory_space<hbm>> -> memref<1x79x128xi32, #tpu.memory_space<hbm>>
      %dma_start3A_15 = tpu.memref_squeeze %dma_start3A_14 : memref<1x79x128xi32, #tpu.memory_space<hbm>> -> memref<79x128xi32, #tpu.memory_space<hbm>>
      tpu.enqueue_dma source(%dma_start3A_15 : memref<79x128xi32, #tpu.memory_space<hbm>>) target(%arg7 : memref<79x128xi32, #tpu.memory_space<vmem>>) target_semaphore(%run_scoped3A : memref<!tpu.dma_semaphore, #tpu.memory_space<semaphore_mem>>)
      %dma_wait3A = arith.constant 0 : i32
      %dma_wait3A_16 = arith.constant 0 : i32
      %dma_wait3A_17 = tpu.memref_slice %arg2[%add3A, %dma_wait3A, %dma_wait3A_16] : memref<32x79x128xi32, #tpu.memory_space<hbm>> -> memref<1x79x128xi32, #tpu.memory_space<hbm>>
      %dma_wait3A_18 = tpu.memref_squeeze %dma_wait3A_17 : memref<1x79x128xi32, #tpu.memory_space<hbm>> -> memref<79x128xi32, #tpu.memory_space<hbm>>
      %dma_wait3A_19 = arith.constant 0 : i32
      %dma_wait3A_20 = arith.constant 0 : i32
      %dma_wait3A_21 = tpu.memref_slice %arg2[%add3A, %dma_wait3A_19, %dma_wait3A_20] : memref<32x79x128xi32, #tpu.memory_space<hbm>> -> memref<1x79x128xi32, #tpu.memory_space<hbm>>
      %dma_wait3A_22 = tpu.memref_squeeze %dma_wait3A_21 : memref<1x79x128xi32, #tpu.memory_space<hbm>> -> memref<79x128xi32, #tpu.memory_space<hbm>>
      tpu.wait_dma2 semaphore(%run_scoped3A : memref<!tpu.dma_semaphore, #tpu.memory_space<semaphore_mem>>) src(%dma_wait3A_22 : memref<79x128xi32, #tpu.memory_space<hbm>>) dst(%arg7 : memref<79x128xi32, #tpu.memory_space<vmem>>)
      tpu.yield
    }) : () -> ()
    "tpu.region"() ({
      %run_scoped3A = tpu.sem_alloc : memref<!tpu.dma_semaphore, #tpu.memory_space<semaphore_mem>>
      %dma_start3A = arith.constant 0 : i32
      %dma_start3A_9 = arith.constant 0 : i32
      %dma_start3A_10 = tpu.memref_slice %arg3[%add3A, %dma_start3A, %dma_start3A_9] : memref<32x79x128xi32, #tpu.memory_space<hbm>> -> memref<1x79x128xi32, #tpu.memory_space<hbm>>
      %dma_start3A_11 = tpu.memref_squeeze %dma_start3A_10 : memref<1x79x128xi32, #tpu.memory_space<hbm>> -> memref<79x128xi32, #tpu.memory_space<hbm>>
      %dma_start3A_12 = arith.constant 0 : i32
      %dma_start3A_13 = arith.constant 0 : i32
      %dma_start3A_14 = tpu.memref_slice %arg3[%add3A, %dma_start3A_12, %dma_start3A_13] : memref<32x79x128xi32, #tpu.memory_space<hbm>> -> memref<1x79x128xi32, #tpu.memory_space<hbm>>
      %dma_start3A_15 = tpu.memref_squeeze %dma_start3A_14 : memref<1x79x128xi32, #tpu.memory_space<hbm>> -> memref<79x128xi32, #tpu.memory_space<hbm>>
      tpu.enqueue_dma source(%dma_start3A_15 : memref<79x128xi32, #tpu.memory_space<hbm>>) target(%arg8 : memref<79x128xi32, #tpu.memory_space<vmem>>) target_semaphore(%run_scoped3A : memref<!tpu.dma_semaphore, #tpu.memory_space<semaphore_mem>>)
      %dma_wait3A = arith.constant 0 : i32
      %dma_wait3A_16 = arith.constant 0 : i32
      %dma_wait3A_17 = tpu.memref_slice %arg3[%add3A, %dma_wait3A, %dma_wait3A_16] : memref<32x79x128xi32, #tpu.memory_space<hbm>> -> memref<1x79x128xi32, #tpu.memory_space<hbm>>
      %dma_wait3A_18 = tpu.memref_squeeze %dma_wait3A_17 : memref<1x79x128xi32, #tpu.memory_space<hbm>> -> memref<79x128xi32, #tpu.memory_space<hbm>>
      %dma_wait3A_19 = arith.constant 0 : i32
      %dma_wait3A_20 = arith.constant 0 : i32
      %dma_wait3A_21 = tpu.memref_slice %arg3[%add3A, %dma_wait3A_19, %dma_wait3A_20] : memref<32x79x128xi32, #tpu.memory_space<hbm>> -> memref<1x79x128xi32, #tpu.memory_space<hbm>>
      %dma_wait3A_22 = tpu.memref_squeeze %dma_wait3A_21 : memref<1x79x128xi32, #tpu.memory_space<hbm>> -> memref<79x128xi32, #tpu.memory_space<hbm>>
      tpu.wait_dma2 semaphore(%run_scoped3A : memref<!tpu.dma_semaphore, #tpu.memory_space<semaphore_mem>>) src(%dma_wait3A_22 : memref<79x128xi32, #tpu.memory_space<hbm>>) dst(%arg8 : memref<79x128xi32, #tpu.memory_space<vmem>>)
      tpu.yield
    }) : () -> ()
    %mul3A_1 = arith.constant 632 : i32
    %mul3A_2 = arith.muli %arg1, %mul3A_1 : i32
    "tpu.region"() ({
      %run_scoped3A = tpu.sem_alloc : memref<!tpu.dma_semaphore, #tpu.memory_space<semaphore_mem>>
      %dma_start3A = arith.constant 0 : i32
      %dma_start3A_9 = tpu.memref_slice %arg10[%mul3A_2, %dma_start3A] : memref<10112x32xf32, #tpu.memory_space<vmem_shared>> -> memref<632x32xf32, #tpu.memory_space<vmem_shared>>
      %dma_start3A_10 = arith.constant 0 : i32
      %dma_start3A_11 = tpu.memref_slice %arg5[%mul3A_2, %dma_start3A_10] : memref<10112x32xf32, #tpu.memory_space<hbm>> -> memref<632x32xf32, #tpu.memory_space<hbm>>
      tpu.enqueue_dma source(%dma_start3A_11 : memref<632x32xf32, #tpu.memory_space<hbm>>) target(%dma_start3A_9 : memref<632x32xf32, #tpu.memory_space<vmem_shared>>) target_semaphore(%run_scoped3A : memref<!tpu.dma_semaphore, #tpu.memory_space<semaphore_mem>>)
      %dma_wait3A = arith.constant 0 : i32
      %dma_wait3A_12 = tpu.memref_slice %arg10[%mul3A_2, %dma_wait3A] : memref<10112x32xf32, #tpu.memory_space<vmem_shared>> -> memref<632x32xf32, #tpu.memory_space<vmem_shared>>
      %dma_wait3A_13 = arith.constant 0 : i32
      %dma_wait3A_14 = tpu.memref_slice %arg5[%mul3A_2, %dma_wait3A_13] : memref<10112x32xf32, #tpu.memory_space<hbm>> -> memref<632x32xf32, #tpu.memory_space<hbm>>
      tpu.wait_dma2 semaphore(%run_scoped3A : memref<!tpu.dma_semaphore, #tpu.memory_space<semaphore_mem>>) src(%dma_wait3A_14 : memref<632x32xf32, #tpu.memory_space<hbm>>) dst(%dma_wait3A_12 : memref<632x32xf32, #tpu.memory_space<vmem_shared>>)
      tpu.yield
    }) : () -> ()
    "tpu.region"() ({
      %run_scoped3A = tpu.sem_alloc : memref<!tpu.dma_semaphore, #tpu.memory_space<semaphore_mem>>
      %dma_start3A = arith.constant 0 : i32
      %dma_start3A_9 = tpu.memref_slice %arg11[%mul3A_2, %dma_start3A] : memref<10112x32xf32, #tpu.memory_space<vmem_shared>> -> memref<632x32xf32, #tpu.memory_space<vmem_shared>>
      %dma_start3A_10 = arith.constant 0 : i32
      %dma_start3A_11 = tpu.memref_slice %arg4[%mul3A_2, %dma_start3A_10] : memref<10112x32xf32, #tpu.memory_space<hbm>> -> memref<632x32xf32, #tpu.memory_space<hbm>>
      tpu.enqueue_dma source(%dma_start3A_11 : memref<632x32xf32, #tpu.memory_space<hbm>>) target(%dma_start3A_9 : memref<632x32xf32, #tpu.memory_space<vmem_shared>>) target_semaphore(%run_scoped3A : memref<!tpu.dma_semaphore, #tpu.memory_space<semaphore_mem>>)
      %dma_wait3A = arith.constant 0 : i32
      %dma_wait3A_12 = tpu.memref_slice %arg11[%mul3A_2, %dma_wait3A] : memref<10112x32xf32, #tpu.memory_space<vmem_shared>> -> memref<632x32xf32, #tpu.memory_space<vmem_shared>>
      %dma_wait3A_13 = arith.constant 0 : i32
      %dma_wait3A_14 = tpu.memref_slice %arg4[%mul3A_2, %dma_wait3A_13] : memref<10112x32xf32, #tpu.memory_space<hbm>> -> memref<632x32xf32, #tpu.memory_space<hbm>>
      tpu.wait_dma2 semaphore(%run_scoped3A : memref<!tpu.dma_semaphore, #tpu.memory_space<semaphore_mem>>) src(%dma_wait3A_14 : memref<632x32xf32, #tpu.memory_space<hbm>>) dst(%dma_wait3A_12 : memref<632x32xf32, #tpu.memory_space<vmem_shared>>)
      tpu.yield
    }) : () -> ()
    %barrier3A = arith.constant 0 : index
    tpu.barrier barrier_id(%barrier3A)
    %scan3A = arith.constant 0 : i32
    %scan3A_3 = arith.constant 0 : i32
    %scan3A_4 = arith.constant 79 : i32
    %scan3A_5 = arith.addi %scan3A_3, %scan3A_4 : i32
    %scan3A_6 = arith.constant 1 : i32
    scf.for %scan3A_9 = %scan3A_3 to %scan3A_5 step %scan3A_6  : i32 {
      %dma_start3A = arith.constant 0 : i32
      %dma_start3A_10 = tpu.memref_slice %arg7[%scan3A_9, %dma_start3A] : memref<79x128xi32, #tpu.memory_space<vmem>> -> memref<1x128xi32, #tpu.memory_space<vmem>>
      %dma_start3A_11 = tpu.memref_squeeze %dma_start3A_10 : memref<1x128xi32, #tpu.memory_space<vmem>> -> memref<128xi32, #tpu.memory_space<vmem>>
      %dma_start3A_12 = arith.constant 0 : i32
      %dma_start3A_13 = arith.constant 0 : i32
      %dma_start3A_14 = tpu.memref_slice %arg11[%dma_start3A_12, %dma_start3A_13] : memref<10112x32xf32, #tpu.memory_space<vmem_shared>> -> memref<10112x32xf32, #tpu.memory_space<vmem_shared>>
      tpu.enqueue_indirect_dma source(%dma_start3A_14 : memref<10112x32xf32, #tpu.memory_space<vmem_shared>>) target(%arg9 : memref<128x32xf32, #tpu.memory_space<vmem>>) offsets(%dma_start3A_11 : memref<128xi32, #tpu.memory_space<vmem>>) semaphore(%arg12 : memref<!tpu.dma_semaphore, #tpu.memory_space<semaphore_mem>>)
      %dma_wait3A = arith.constant 0 : i32
      %dma_wait3A_15 = tpu.memref_slice %arg7[%scan3A_9, %dma_wait3A] : memref<79x128xi32, #tpu.memory_space<vmem>> -> memref<1x128xi32, #tpu.memory_space<vmem>>
      %dma_wait3A_16 = tpu.memref_squeeze %dma_wait3A_15 : memref<1x128xi32, #tpu.memory_space<vmem>> -> memref<128xi32, #tpu.memory_space<vmem>>
      %dma_wait3A_17 = arith.constant 0 : i32
      %dma_wait3A_18 = arith.constant 0 : i32
      %dma_wait3A_19 = tpu.memref_slice %arg11[%dma_wait3A_17, %dma_wait3A_18] : memref<10112x32xf32, #tpu.memory_space<vmem_shared>> -> memref<10112x32xf32, #tpu.memory_space<vmem_shared>>
      tpu.wait_indirect_dma semaphore(%arg12 : memref<!tpu.dma_semaphore, #tpu.memory_space<semaphore_mem>>) src(%dma_wait3A_19 : memref<10112x32xf32, #tpu.memory_space<vmem_shared>>) dst(%arg9 : memref<128x32xf32, #tpu.memory_space<vmem>>)
      "tpu.region"() ({
        %run_scoped3A = tpu.sem_alloc : memref<!tpu.dma_semaphore, #tpu.memory_space<semaphore_mem>>
        %dma_start3A_20 = arith.constant 0 : i32
        %dma_start3A_21 = tpu.memref_slice %arg8[%scan3A_9, %dma_start3A_20] : memref<79x128xi32, #tpu.memory_space<vmem>> -> memref<1x128xi32, #tpu.memory_space<vmem>>
        %dma_start3A_22 = tpu.memref_squeeze %dma_start3A_21 : memref<1x128xi32, #tpu.memory_space<vmem>> -> memref<128xi32, #tpu.memory_space<vmem>>
        %dma_start3A_23 = arith.constant 0 : i32
        %dma_start3A_24 = arith.constant 0 : i32
        %dma_start3A_25 = tpu.memref_slice %arg10[%dma_start3A_23, %dma_start3A_24] : memref<10112x32xf32, #tpu.memory_space<vmem_shared>> -> memref<10112x32xf32, #tpu.memory_space<vmem_shared>>
        tpu.enqueue_indirect_dma source(%arg9 : memref<128x32xf32, #tpu.memory_space<vmem>>) target(%dma_start3A_25 : memref<10112x32xf32, #tpu.memory_space<vmem_shared>>) offsets(%dma_start3A_22 : memref<128xi32, #tpu.memory_space<vmem>>) semaphore(%run_scoped3A : memref<!tpu.dma_semaphore, #tpu.memory_space<semaphore_mem>>) {add = true}
        %dma_wait3A_26 = arith.constant 0 : i32
        %dma_wait3A_27 = tpu.memref_slice %arg8[%scan3A_9, %dma_wait3A_26] : memref<79x128xi32, #tpu.memory_space<vmem>> -> memref<1x128xi32, #tpu.memory_space<vmem>>
        %dma_wait3A_28 = tpu.memref_squeeze %dma_wait3A_27 : memref<1x128xi32, #tpu.memory_space<vmem>> -> memref<128xi32, #tpu.memory_space<vmem>>
        %dma_wait3A_29 = arith.constant 0 : i32
        %dma_wait3A_30 = arith.constant 0 : i32
        %dma_wait3A_31 = tpu.memref_slice %arg10[%dma_wait3A_29, %dma_wait3A_30] : memref<10112x32xf32, #tpu.memory_space<vmem_shared>> -> memref<10112x32xf32, #tpu.memory_space<vmem_shared>>
        tpu.wait_indirect_dma semaphore(%run_scoped3A : memref<!tpu.dma_semaphore, #tpu.memory_space<semaphore_mem>>) src(%arg9 : memref<128x32xf32, #tpu.memory_space<vmem>>) dst(%dma_wait3A_31 : memref<10112x32xf32, #tpu.memory_space<vmem_shared>>)
        tpu.yield
      }) : () -> ()
    }
    %scan3A_7 = arith.constant 79 : i32
    %barrier3A_8 = arith.constant 0 : index
    tpu.barrier barrier_id(%barrier3A_8)
    "tpu.region"() ({
      %run_scoped3A = tpu.sem_alloc : memref<!tpu.dma_semaphore, #tpu.memory_space<semaphore_mem>>
      %dma_start3A = arith.constant 0 : i32
      %dma_start3A_9 = tpu.memref_slice %arg6[%arg0, %mul3A_2, %dma_start3A] : memref<2x10112x32xf32, #tpu.memory_space<hbm>> -> memref<1x632x32xf32, #tpu.memory_space<hbm>>
      %dma_start3A_10 = tpu.memref_squeeze %dma_start3A_9 : memref<1x632x32xf32, #tpu.memory_space<hbm>> -> memref<632x32xf32, #tpu.memory_space<hbm>>
      %dma_start3A_11 = arith.constant 0 : i32
      %dma_start3A_12 = tpu.memref_slice %arg10[%mul3A_2, %dma_start3A_11] : memref<10112x32xf32, #tpu.memory_space<vmem_shared>> -> memref<632x32xf32, #tpu.memory_space<vmem_shared>>
      tpu.enqueue_dma source(%dma_start3A_12 : memref<632x32xf32, #tpu.memory_space<vmem_shared>>) target(%dma_start3A_10 : memref<632x32xf32, #tpu.memory_space<hbm>>) target_semaphore(%run_scoped3A : memref<!tpu.dma_semaphore, #tpu.memory_space<semaphore_mem>>)
      %dma_wait3A = arith.constant 0 : i32
      %dma_wait3A_13 = tpu.memref_slice %arg6[%arg0, %mul3A_2, %dma_wait3A] : memref<2x10112x32xf32, #tpu.memory_space<hbm>> -> memref<1x632x32xf32, #tpu.memory_space<hbm>>
      %dma_wait3A_14 = tpu.memref_squeeze %dma_wait3A_13 : memref<1x632x32xf32, #tpu.memory_space<hbm>> -> memref<632x32xf32, #tpu.memory_space<hbm>>
      %dma_wait3A_15 = arith.constant 0 : i32
      %dma_wait3A_16 = tpu.memref_slice %arg10[%mul3A_2, %dma_wait3A_15] : memref<10112x32xf32, #tpu.memory_space<vmem_shared>> -> memref<632x32xf32, #tpu.memory_space<vmem_shared>>
      tpu.wait_dma2 semaphore(%run_scoped3A : memref<!tpu.dma_semaphore, #tpu.memory_space<semaphore_mem>>) src(%dma_wait3A_16 : memref<632x32xf32, #tpu.memory_space<vmem_shared>>) dst(%dma_wait3A_14 : memref<632x32xf32, #tpu.memory_space<hbm>>)
      tpu.yield
    }) : () -> ()
    return
  }
}

#map = affine_map<(d0, d1) -> (0, 0, 0)>
#map1 = affine_map<(d0, d1) -> (0, 0)>
module attributes {stable_mosaic.version = 14 : i64} {
  func.func @_agg_body(%arg0: i32, %arg1: i32, %arg2: memref<32x79x128xi32, #tpu.memory_space<hbm>>, %arg3: memref<32x79x128xi32, #tpu.memory_space<hbm>>, %arg4: memref<10112x64xf32, #tpu.memory_space<hbm>>, %arg5: memref<10112x64xf32, #tpu.memory_space<hbm>>, %arg6: memref<2x10112x64xf32, #tpu.memory_space<hbm>>, %arg7: memref<79x128xi32, #tpu.memory_space<vmem>>, %arg8: memref<79x128xi32, #tpu.memory_space<vmem>>, %arg9: memref<128x64xf32, #tpu.memory_space<vmem>>, %arg10: memref<10112x64xf32, #tpu.memory_space<vmem_shared>>, %arg11: memref<10112x64xf32, #tpu.memory_space<vmem_shared>>, %arg12: memref<!tpu.dma_semaphore, #tpu.memory_space<semaphore_mem>>) attributes {dimension_semantics = [#tpu.dimension_semantics<core_parallel>, #tpu.dimension_semantics<subcore_parallel>], iteration_bounds = array<i64: 2, 16>, scalar_prefetch = 0 : i64, scratch_operands = 6 : i64, tpu.core_type = #tpu.core_type<sc_vector_subcore>, window_params = [{transform_indices = #map}, {transform_indices = #map}, {transform_indices = #map1}, {transform_indices = #map1}, {transform_indices = #map}]} {
    %mul3A = arith.constant 2 : i32
    %mul3A_0 = arith.muli %arg1, %mul3A : i32
    %add3A = arith.addi %mul3A_0, %arg0 : i32
    "tpu.region"() ({
      %run_scoped3A = tpu.sem_alloc : memref<!tpu.dma_semaphore, #tpu.memory_space<semaphore_mem>>
      %dma_start3A = arith.constant 0 : i32
      %dma_start3A_9 = arith.constant 0 : i32
      %dma_start3A_10 = tpu.memref_slice %arg2[%add3A, %dma_start3A, %dma_start3A_9] : memref<32x79x128xi32, #tpu.memory_space<hbm>> -> memref<1x79x128xi32, #tpu.memory_space<hbm>>
      %dma_start3A_11 = tpu.memref_squeeze %dma_start3A_10 : memref<1x79x128xi32, #tpu.memory_space<hbm>> -> memref<79x128xi32, #tpu.memory_space<hbm>>
      %dma_start3A_12 = arith.constant 0 : i32
      %dma_start3A_13 = arith.constant 0 : i32
      %dma_start3A_14 = tpu.memref_slice %arg2[%add3A, %dma_start3A_12, %dma_start3A_13] : memref<32x79x128xi32, #tpu.memory_space<hbm>> -> memref<1x79x128xi32, #tpu.memory_space<hbm>>
      %dma_start3A_15 = tpu.memref_squeeze %dma_start3A_14 : memref<1x79x128xi32, #tpu.memory_space<hbm>> -> memref<79x128xi32, #tpu.memory_space<hbm>>
      tpu.enqueue_dma source(%dma_start3A_15 : memref<79x128xi32, #tpu.memory_space<hbm>>) target(%arg7 : memref<79x128xi32, #tpu.memory_space<vmem>>) target_semaphore(%run_scoped3A : memref<!tpu.dma_semaphore, #tpu.memory_space<semaphore_mem>>)
      %dma_wait3A = arith.constant 0 : i32
      %dma_wait3A_16 = arith.constant 0 : i32
      %dma_wait3A_17 = tpu.memref_slice %arg2[%add3A, %dma_wait3A, %dma_wait3A_16] : memref<32x79x128xi32, #tpu.memory_space<hbm>> -> memref<1x79x128xi32, #tpu.memory_space<hbm>>
      %dma_wait3A_18 = tpu.memref_squeeze %dma_wait3A_17 : memref<1x79x128xi32, #tpu.memory_space<hbm>> -> memref<79x128xi32, #tpu.memory_space<hbm>>
      %dma_wait3A_19 = arith.constant 0 : i32
      %dma_wait3A_20 = arith.constant 0 : i32
      %dma_wait3A_21 = tpu.memref_slice %arg2[%add3A, %dma_wait3A_19, %dma_wait3A_20] : memref<32x79x128xi32, #tpu.memory_space<hbm>> -> memref<1x79x128xi32, #tpu.memory_space<hbm>>
      %dma_wait3A_22 = tpu.memref_squeeze %dma_wait3A_21 : memref<1x79x128xi32, #tpu.memory_space<hbm>> -> memref<79x128xi32, #tpu.memory_space<hbm>>
      tpu.wait_dma2 semaphore(%run_scoped3A : memref<!tpu.dma_semaphore, #tpu.memory_space<semaphore_mem>>) src(%dma_wait3A_22 : memref<79x128xi32, #tpu.memory_space<hbm>>) dst(%arg7 : memref<79x128xi32, #tpu.memory_space<vmem>>)
      tpu.yield
    }) : () -> ()
    "tpu.region"() ({
      %run_scoped3A = tpu.sem_alloc : memref<!tpu.dma_semaphore, #tpu.memory_space<semaphore_mem>>
      %dma_start3A = arith.constant 0 : i32
      %dma_start3A_9 = arith.constant 0 : i32
      %dma_start3A_10 = tpu.memref_slice %arg3[%add3A, %dma_start3A, %dma_start3A_9] : memref<32x79x128xi32, #tpu.memory_space<hbm>> -> memref<1x79x128xi32, #tpu.memory_space<hbm>>
      %dma_start3A_11 = tpu.memref_squeeze %dma_start3A_10 : memref<1x79x128xi32, #tpu.memory_space<hbm>> -> memref<79x128xi32, #tpu.memory_space<hbm>>
      %dma_start3A_12 = arith.constant 0 : i32
      %dma_start3A_13 = arith.constant 0 : i32
      %dma_start3A_14 = tpu.memref_slice %arg3[%add3A, %dma_start3A_12, %dma_start3A_13] : memref<32x79x128xi32, #tpu.memory_space<hbm>> -> memref<1x79x128xi32, #tpu.memory_space<hbm>>
      %dma_start3A_15 = tpu.memref_squeeze %dma_start3A_14 : memref<1x79x128xi32, #tpu.memory_space<hbm>> -> memref<79x128xi32, #tpu.memory_space<hbm>>
      tpu.enqueue_dma source(%dma_start3A_15 : memref<79x128xi32, #tpu.memory_space<hbm>>) target(%arg8 : memref<79x128xi32, #tpu.memory_space<vmem>>) target_semaphore(%run_scoped3A : memref<!tpu.dma_semaphore, #tpu.memory_space<semaphore_mem>>)
      %dma_wait3A = arith.constant 0 : i32
      %dma_wait3A_16 = arith.constant 0 : i32
      %dma_wait3A_17 = tpu.memref_slice %arg3[%add3A, %dma_wait3A, %dma_wait3A_16] : memref<32x79x128xi32, #tpu.memory_space<hbm>> -> memref<1x79x128xi32, #tpu.memory_space<hbm>>
      %dma_wait3A_18 = tpu.memref_squeeze %dma_wait3A_17 : memref<1x79x128xi32, #tpu.memory_space<hbm>> -> memref<79x128xi32, #tpu.memory_space<hbm>>
      %dma_wait3A_19 = arith.constant 0 : i32
      %dma_wait3A_20 = arith.constant 0 : i32
      %dma_wait3A_21 = tpu.memref_slice %arg3[%add3A, %dma_wait3A_19, %dma_wait3A_20] : memref<32x79x128xi32, #tpu.memory_space<hbm>> -> memref<1x79x128xi32, #tpu.memory_space<hbm>>
      %dma_wait3A_22 = tpu.memref_squeeze %dma_wait3A_21 : memref<1x79x128xi32, #tpu.memory_space<hbm>> -> memref<79x128xi32, #tpu.memory_space<hbm>>
      tpu.wait_dma2 semaphore(%run_scoped3A : memref<!tpu.dma_semaphore, #tpu.memory_space<semaphore_mem>>) src(%dma_wait3A_22 : memref<79x128xi32, #tpu.memory_space<hbm>>) dst(%arg8 : memref<79x128xi32, #tpu.memory_space<vmem>>)
      tpu.yield
    }) : () -> ()
    %mul3A_1 = arith.constant 632 : i32
    %mul3A_2 = arith.muli %arg1, %mul3A_1 : i32
    "tpu.region"() ({
      %run_scoped3A = tpu.sem_alloc : memref<!tpu.dma_semaphore, #tpu.memory_space<semaphore_mem>>
      %dma_start3A = arith.constant 0 : i32
      %dma_start3A_9 = tpu.memref_slice %arg10[%mul3A_2, %dma_start3A] : memref<10112x64xf32, #tpu.memory_space<vmem_shared>> -> memref<632x64xf32, #tpu.memory_space<vmem_shared>>
      %dma_start3A_10 = arith.constant 0 : i32
      %dma_start3A_11 = tpu.memref_slice %arg5[%mul3A_2, %dma_start3A_10] : memref<10112x64xf32, #tpu.memory_space<hbm>> -> memref<632x64xf32, #tpu.memory_space<hbm>>
      tpu.enqueue_dma source(%dma_start3A_11 : memref<632x64xf32, #tpu.memory_space<hbm>>) target(%dma_start3A_9 : memref<632x64xf32, #tpu.memory_space<vmem_shared>>) target_semaphore(%run_scoped3A : memref<!tpu.dma_semaphore, #tpu.memory_space<semaphore_mem>>)
      %dma_wait3A = arith.constant 0 : i32
      %dma_wait3A_12 = tpu.memref_slice %arg10[%mul3A_2, %dma_wait3A] : memref<10112x64xf32, #tpu.memory_space<vmem_shared>> -> memref<632x64xf32, #tpu.memory_space<vmem_shared>>
      %dma_wait3A_13 = arith.constant 0 : i32
      %dma_wait3A_14 = tpu.memref_slice %arg5[%mul3A_2, %dma_wait3A_13] : memref<10112x64xf32, #tpu.memory_space<hbm>> -> memref<632x64xf32, #tpu.memory_space<hbm>>
      tpu.wait_dma2 semaphore(%run_scoped3A : memref<!tpu.dma_semaphore, #tpu.memory_space<semaphore_mem>>) src(%dma_wait3A_14 : memref<632x64xf32, #tpu.memory_space<hbm>>) dst(%dma_wait3A_12 : memref<632x64xf32, #tpu.memory_space<vmem_shared>>)
      tpu.yield
    }) : () -> ()
    "tpu.region"() ({
      %run_scoped3A = tpu.sem_alloc : memref<!tpu.dma_semaphore, #tpu.memory_space<semaphore_mem>>
      %dma_start3A = arith.constant 0 : i32
      %dma_start3A_9 = tpu.memref_slice %arg11[%mul3A_2, %dma_start3A] : memref<10112x64xf32, #tpu.memory_space<vmem_shared>> -> memref<632x64xf32, #tpu.memory_space<vmem_shared>>
      %dma_start3A_10 = arith.constant 0 : i32
      %dma_start3A_11 = tpu.memref_slice %arg4[%mul3A_2, %dma_start3A_10] : memref<10112x64xf32, #tpu.memory_space<hbm>> -> memref<632x64xf32, #tpu.memory_space<hbm>>
      tpu.enqueue_dma source(%dma_start3A_11 : memref<632x64xf32, #tpu.memory_space<hbm>>) target(%dma_start3A_9 : memref<632x64xf32, #tpu.memory_space<vmem_shared>>) target_semaphore(%run_scoped3A : memref<!tpu.dma_semaphore, #tpu.memory_space<semaphore_mem>>)
      %dma_wait3A = arith.constant 0 : i32
      %dma_wait3A_12 = tpu.memref_slice %arg11[%mul3A_2, %dma_wait3A] : memref<10112x64xf32, #tpu.memory_space<vmem_shared>> -> memref<632x64xf32, #tpu.memory_space<vmem_shared>>
      %dma_wait3A_13 = arith.constant 0 : i32
      %dma_wait3A_14 = tpu.memref_slice %arg4[%mul3A_2, %dma_wait3A_13] : memref<10112x64xf32, #tpu.memory_space<hbm>> -> memref<632x64xf32, #tpu.memory_space<hbm>>
      tpu.wait_dma2 semaphore(%run_scoped3A : memref<!tpu.dma_semaphore, #tpu.memory_space<semaphore_mem>>) src(%dma_wait3A_14 : memref<632x64xf32, #tpu.memory_space<hbm>>) dst(%dma_wait3A_12 : memref<632x64xf32, #tpu.memory_space<vmem_shared>>)
      tpu.yield
    }) : () -> ()
    %barrier3A = arith.constant 0 : index
    tpu.barrier barrier_id(%barrier3A)
    %scan3A = arith.constant 0 : i32
    %scan3A_3 = arith.constant 0 : i32
    %scan3A_4 = arith.constant 79 : i32
    %scan3A_5 = arith.addi %scan3A_3, %scan3A_4 : i32
    %scan3A_6 = arith.constant 1 : i32
    scf.for %scan3A_9 = %scan3A_3 to %scan3A_5 step %scan3A_6  : i32 {
      %dma_start3A = arith.constant 0 : i32
      %dma_start3A_10 = tpu.memref_slice %arg7[%scan3A_9, %dma_start3A] : memref<79x128xi32, #tpu.memory_space<vmem>> -> memref<1x128xi32, #tpu.memory_space<vmem>>
      %dma_start3A_11 = tpu.memref_squeeze %dma_start3A_10 : memref<1x128xi32, #tpu.memory_space<vmem>> -> memref<128xi32, #tpu.memory_space<vmem>>
      %dma_start3A_12 = arith.constant 0 : i32
      %dma_start3A_13 = arith.constant 0 : i32
      %dma_start3A_14 = tpu.memref_slice %arg11[%dma_start3A_12, %dma_start3A_13] : memref<10112x64xf32, #tpu.memory_space<vmem_shared>> -> memref<10112x64xf32, #tpu.memory_space<vmem_shared>>
      tpu.enqueue_indirect_dma source(%dma_start3A_14 : memref<10112x64xf32, #tpu.memory_space<vmem_shared>>) target(%arg9 : memref<128x64xf32, #tpu.memory_space<vmem>>) offsets(%dma_start3A_11 : memref<128xi32, #tpu.memory_space<vmem>>) semaphore(%arg12 : memref<!tpu.dma_semaphore, #tpu.memory_space<semaphore_mem>>)
      %dma_wait3A = arith.constant 0 : i32
      %dma_wait3A_15 = tpu.memref_slice %arg7[%scan3A_9, %dma_wait3A] : memref<79x128xi32, #tpu.memory_space<vmem>> -> memref<1x128xi32, #tpu.memory_space<vmem>>
      %dma_wait3A_16 = tpu.memref_squeeze %dma_wait3A_15 : memref<1x128xi32, #tpu.memory_space<vmem>> -> memref<128xi32, #tpu.memory_space<vmem>>
      %dma_wait3A_17 = arith.constant 0 : i32
      %dma_wait3A_18 = arith.constant 0 : i32
      %dma_wait3A_19 = tpu.memref_slice %arg11[%dma_wait3A_17, %dma_wait3A_18] : memref<10112x64xf32, #tpu.memory_space<vmem_shared>> -> memref<10112x64xf32, #tpu.memory_space<vmem_shared>>
      tpu.wait_indirect_dma semaphore(%arg12 : memref<!tpu.dma_semaphore, #tpu.memory_space<semaphore_mem>>) src(%dma_wait3A_19 : memref<10112x64xf32, #tpu.memory_space<vmem_shared>>) dst(%arg9 : memref<128x64xf32, #tpu.memory_space<vmem>>)
      "tpu.region"() ({
        %run_scoped3A = tpu.sem_alloc : memref<!tpu.dma_semaphore, #tpu.memory_space<semaphore_mem>>
        %dma_start3A_20 = arith.constant 0 : i32
        %dma_start3A_21 = tpu.memref_slice %arg8[%scan3A_9, %dma_start3A_20] : memref<79x128xi32, #tpu.memory_space<vmem>> -> memref<1x128xi32, #tpu.memory_space<vmem>>
        %dma_start3A_22 = tpu.memref_squeeze %dma_start3A_21 : memref<1x128xi32, #tpu.memory_space<vmem>> -> memref<128xi32, #tpu.memory_space<vmem>>
        %dma_start3A_23 = arith.constant 0 : i32
        %dma_start3A_24 = arith.constant 0 : i32
        %dma_start3A_25 = tpu.memref_slice %arg10[%dma_start3A_23, %dma_start3A_24] : memref<10112x64xf32, #tpu.memory_space<vmem_shared>> -> memref<10112x64xf32, #tpu.memory_space<vmem_shared>>
        tpu.enqueue_indirect_dma source(%arg9 : memref<128x64xf32, #tpu.memory_space<vmem>>) target(%dma_start3A_25 : memref<10112x64xf32, #tpu.memory_space<vmem_shared>>) offsets(%dma_start3A_22 : memref<128xi32, #tpu.memory_space<vmem>>) semaphore(%run_scoped3A : memref<!tpu.dma_semaphore, #tpu.memory_space<semaphore_mem>>) {add = true}
        %dma_wait3A_26 = arith.constant 0 : i32
        %dma_wait3A_27 = tpu.memref_slice %arg8[%scan3A_9, %dma_wait3A_26] : memref<79x128xi32, #tpu.memory_space<vmem>> -> memref<1x128xi32, #tpu.memory_space<vmem>>
        %dma_wait3A_28 = tpu.memref_squeeze %dma_wait3A_27 : memref<1x128xi32, #tpu.memory_space<vmem>> -> memref<128xi32, #tpu.memory_space<vmem>>
        %dma_wait3A_29 = arith.constant 0 : i32
        %dma_wait3A_30 = arith.constant 0 : i32
        %dma_wait3A_31 = tpu.memref_slice %arg10[%dma_wait3A_29, %dma_wait3A_30] : memref<10112x64xf32, #tpu.memory_space<vmem_shared>> -> memref<10112x64xf32, #tpu.memory_space<vmem_shared>>
        tpu.wait_indirect_dma semaphore(%run_scoped3A : memref<!tpu.dma_semaphore, #tpu.memory_space<semaphore_mem>>) src(%arg9 : memref<128x64xf32, #tpu.memory_space<vmem>>) dst(%dma_wait3A_31 : memref<10112x64xf32, #tpu.memory_space<vmem_shared>>)
        tpu.yield
      }) : () -> ()
    }
    %scan3A_7 = arith.constant 79 : i32
    %barrier3A_8 = arith.constant 0 : index
    tpu.barrier barrier_id(%barrier3A_8)
    "tpu.region"() ({
      %run_scoped3A = tpu.sem_alloc : memref<!tpu.dma_semaphore, #tpu.memory_space<semaphore_mem>>
      %dma_start3A = arith.constant 0 : i32
      %dma_start3A_9 = tpu.memref_slice %arg6[%arg0, %mul3A_2, %dma_start3A] : memref<2x10112x64xf32, #tpu.memory_space<hbm>> -> memref<1x632x64xf32, #tpu.memory_space<hbm>>
      %dma_start3A_10 = tpu.memref_squeeze %dma_start3A_9 : memref<1x632x64xf32, #tpu.memory_space<hbm>> -> memref<632x64xf32, #tpu.memory_space<hbm>>
      %dma_start3A_11 = arith.constant 0 : i32
      %dma_start3A_12 = tpu.memref_slice %arg10[%mul3A_2, %dma_start3A_11] : memref<10112x64xf32, #tpu.memory_space<vmem_shared>> -> memref<632x64xf32, #tpu.memory_space<vmem_shared>>
      tpu.enqueue_dma source(%dma_start3A_12 : memref<632x64xf32, #tpu.memory_space<vmem_shared>>) target(%dma_start3A_10 : memref<632x64xf32, #tpu.memory_space<hbm>>) target_semaphore(%run_scoped3A : memref<!tpu.dma_semaphore, #tpu.memory_space<semaphore_mem>>)
      %dma_wait3A = arith.constant 0 : i32
      %dma_wait3A_13 = tpu.memref_slice %arg6[%arg0, %mul3A_2, %dma_wait3A] : memref<2x10112x64xf32, #tpu.memory_space<hbm>> -> memref<1x632x64xf32, #tpu.memory_space<hbm>>
      %dma_wait3A_14 = tpu.memref_squeeze %dma_wait3A_13 : memref<1x632x64xf32, #tpu.memory_space<hbm>> -> memref<632x64xf32, #tpu.memory_space<hbm>>
      %dma_wait3A_15 = arith.constant 0 : i32
      %dma_wait3A_16 = tpu.memref_slice %arg10[%mul3A_2, %dma_wait3A_15] : memref<10112x64xf32, #tpu.memory_space<vmem_shared>> -> memref<632x64xf32, #tpu.memory_space<vmem_shared>>
      tpu.wait_dma2 semaphore(%run_scoped3A : memref<!tpu.dma_semaphore, #tpu.memory_space<semaphore_mem>>) src(%dma_wait3A_16 : memref<632x64xf32, #tpu.memory_space<vmem_shared>>) dst(%dma_wait3A_14 : memref<632x64xf32, #tpu.memory_space<hbm>>)
      tpu.yield
    }) : () -> ()
    return
  }
}

module attributes {stable_mosaic.version = 14 : i64} {
  func.func @_layer1_tc(%arg0: memref<10112x128xf32, #tpu.memory_space<vmem>>, %arg1: memref<128x64xf32, #tpu.memory_space<vmem>>, %arg2: memref<2x10112x8xf32, #tpu.memory_space<vmem>>, %arg3: memref<10112x64xf32, #tpu.memory_space<vmem>>, %arg4: memref<10112x1xf32, #tpu.memory_space<vmem>>) attributes {dimension_semantics = [], scalar_prefetch = 0 : i64, scratch_operands = 0 : i64, tpu.core_type = #tpu.core_type<tc>} {
    %get3A = arith.constant 0 : index
    %get3A_0 = arith.constant 0 : index
    %get3A_1 = arith.constant 0 : index
    %get3A_2 = vector.load %arg2[%get3A, %get3A_0, %get3A_1] : memref<2x10112x8xf32, #tpu.memory_space<vmem>>, vector<1x10112x1xf32>
    %get3A_3 = vector.shape_cast %get3A_2 : vector<1x10112x1xf32> to vector<10112x1xf32>
    %get3A_4 = arith.constant 1 : index
    %get3A_5 = arith.constant 0 : index
    %get3A_6 = arith.constant 0 : index
    %get3A_7 = vector.load %arg2[%get3A_4, %get3A_5, %get3A_6] : memref<2x10112x8xf32, #tpu.memory_space<vmem>>, vector<1x10112x1xf32>
    %get3A_8 = vector.shape_cast %get3A_7 : vector<1x10112x1xf32> to vector<10112x1xf32>
    %add3A = arith.addf %get3A_3, %get3A_8 : vector<10112x1xf32>
    %add3A_9 = arith.constant 1.000000e+00 : f32
    %add3A_10 = vector.broadcast %add3A_9 : f32 to vector<10112x1xf32>
    %add3A_11 = arith.addf %add3A, %add3A_10 : vector<10112x1xf32>
    %rsqrt3A = math.rsqrt %add3A_11 : vector<10112x1xf32>
    %get3A_12 = arith.constant 0 : index
    %get3A_13 = arith.constant 0 : index
    %get3A_14 = vector.load %arg0[%get3A_12, %get3A_13] : memref<10112x128xf32, #tpu.memory_space<vmem>>, vector<10112x128xf32>
    %get3A_15 = arith.constant 0 : index
    %get3A_16 = arith.constant 0 : index
    %get3A_17 = vector.load %arg1[%get3A_15, %get3A_16] : memref<128x64xf32, #tpu.memory_space<vmem>>, vector<128x64xf32>
    %dot_general3A = arith.constant dense<0.000000e+00> : vector<10112x64xf32>
    %dot_general3A_18 = tpu.matmul %get3A_14, %get3A_17, %dot_general3A {dimension_numbers = #tpu.dot_dimension_numbers<[1], [0], [0], [1], [0, 0, 1, 1], [], []>, transpose_lhs_hint = false} : vector<10112x128xf32>, vector<128x64xf32>, vector<10112x64xf32> -> vector<10112x64xf32>
    %mul3A = vector.broadcast %rsqrt3A : vector<10112x1xf32> to vector<10112x64xf32>
    %mul3A_19 = arith.mulf %dot_general3A_18, %mul3A : vector<10112x64xf32>
    %swap3A = arith.constant 0 : index
    %swap3A_20 = arith.constant 0 : index
    %swap3A_21 = vector.load %arg3[%swap3A, %swap3A_20] : memref<10112x64xf32, #tpu.memory_space<vmem>>, vector<10112x64xf32>
    tpu.vector_store %arg3[%swap3A, %swap3A_20], %mul3A_19 {strides = array<i32>} : memref<10112x64xf32, #tpu.memory_space<vmem>>, vector<10112x64xf32>,
    %swap3A_22 = arith.constant 0 : index
    %swap3A_23 = arith.constant 0 : index
    %swap3A_24 = vector.load %arg4[%swap3A_22, %swap3A_23] : memref<10112x1xf32, #tpu.memory_space<vmem>>, vector<10112x1xf32>
    tpu.vector_store %arg4[%swap3A_22, %swap3A_23], %rsqrt3A {strides = array<i32>} : memref<10112x1xf32, #tpu.memory_space<vmem>>, vector<10112x1xf32>,
    return
  }
}

module attributes {stable_mosaic.version = 14 : i64} {
  func.func @_layer2_tc(%arg0: memref<2x10112x64xf32, #tpu.memory_space<vmem>>, %arg1: memref<10112x64xf32, #tpu.memory_space<vmem>>, %arg2: memref<10112x1xf32, #tpu.memory_space<vmem>>, %arg3: memref<1x64xf32, #tpu.memory_space<vmem>>, %arg4: memref<64x32xf32, #tpu.memory_space<vmem>>, %arg5: memref<10112x32xf32, #tpu.memory_space<vmem>>) attributes {dimension_semantics = [], scalar_prefetch = 0 : i64, scratch_operands = 0 : i64, tpu.core_type = #tpu.core_type<tc>} {
    %get3A = arith.constant 0 : index
    %get3A_0 = arith.constant 0 : index
    %get3A_1 = arith.constant 0 : index
    %get3A_2 = vector.load %arg0[%get3A, %get3A_0, %get3A_1] : memref<2x10112x64xf32, #tpu.memory_space<vmem>>, vector<1x10112x64xf32>
    %get3A_3 = vector.shape_cast %get3A_2 : vector<1x10112x64xf32> to vector<10112x64xf32>
    %get3A_4 = arith.constant 1 : index
    %get3A_5 = arith.constant 0 : index
    %get3A_6 = arith.constant 0 : index
    %get3A_7 = vector.load %arg0[%get3A_4, %get3A_5, %get3A_6] : memref<2x10112x64xf32, #tpu.memory_space<vmem>>, vector<1x10112x64xf32>
    %get3A_8 = vector.shape_cast %get3A_7 : vector<1x10112x64xf32> to vector<10112x64xf32>
    %add3A = arith.addf %get3A_3, %get3A_8 : vector<10112x64xf32>
    %get3A_9 = arith.constant 0 : index
    %get3A_10 = arith.constant 0 : index
    %get3A_11 = vector.load %arg1[%get3A_9, %get3A_10] : memref<10112x64xf32, #tpu.memory_space<vmem>>, vector<10112x64xf32>
    %add3A_12 = arith.addf %add3A, %get3A_11 : vector<10112x64xf32>
    %get3A_13 = arith.constant 0 : index
    %get3A_14 = arith.constant 0 : index
    %get3A_15 = vector.load %arg2[%get3A_13, %get3A_14] : memref<10112x1xf32, #tpu.memory_space<vmem>>, vector<10112x1xf32>
    %mul3A = vector.broadcast %get3A_15 : vector<10112x1xf32> to vector<10112x64xf32>
    %mul3A_16 = arith.mulf %add3A_12, %mul3A : vector<10112x64xf32>
    %get3A_17 = arith.constant 0 : index
    %get3A_18 = arith.constant 0 : index
    %get3A_19 = vector.load %arg3[%get3A_17, %get3A_18] : memref<1x64xf32, #tpu.memory_space<vmem>>, vector<1x64xf32>
    %add3A_20 = vector.broadcast %get3A_19 : vector<1x64xf32> to vector<10112x64xf32>
    %add3A_21 = arith.addf %mul3A_16, %add3A_20 : vector<10112x64xf32>
    %max3A = arith.constant 0.000000e+00 : f32
    %max3A_22 = vector.broadcast %max3A : f32 to vector<10112x64xf32>
    %max3A_23 = arith.maximumf %add3A_21, %max3A_22 : vector<10112x64xf32>
    %get3A_24 = arith.constant 0 : index
    %get3A_25 = arith.constant 0 : index
    %get3A_26 = vector.load %arg4[%get3A_24, %get3A_25] : memref<64x32xf32, #tpu.memory_space<vmem>>, vector<64x32xf32>
    %dot_general3A = arith.constant dense<0.000000e+00> : vector<10112x32xf32>
    %dot_general3A_27 = tpu.matmul %max3A_23, %get3A_26, %dot_general3A {dimension_numbers = #tpu.dot_dimension_numbers<[1], [0], [0], [1], [0, 0, 1, 1], [], []>, transpose_lhs_hint = false} : vector<10112x64xf32>, vector<64x32xf32>, vector<10112x32xf32> -> vector<10112x32xf32>
    %get3A_28 = arith.constant 0 : index
    %get3A_29 = arith.constant 0 : index
    %get3A_30 = vector.load %arg2[%get3A_28, %get3A_29] : memref<10112x1xf32, #tpu.memory_space<vmem>>, vector<10112x1xf32>
    %mul3A_31 = vector.broadcast %get3A_30 : vector<10112x1xf32> to vector<10112x32xf32>
    %mul3A_32 = arith.mulf %dot_general3A_27, %mul3A_31 : vector<10112x32xf32>
    %swap3A = arith.constant 0 : index
    %swap3A_33 = arith.constant 0 : index
    %swap3A_34 = vector.load %arg5[%swap3A, %swap3A_33] : memref<10112x32xf32, #tpu.memory_space<vmem>>, vector<10112x32xf32>
    tpu.vector_store %arg5[%swap3A, %swap3A_33], %mul3A_32 {strides = array<i32>} : memref<10112x32xf32, #tpu.memory_space<vmem>>, vector<10112x32xf32>,
    return
  }
}

module attributes {stable_mosaic.version = 14 : i64} {
  func.func @_finish_tc(%arg0: memref<2x10112x32xf32, #tpu.memory_space<vmem>>, %arg1: memref<10112x32xf32, #tpu.memory_space<vmem>>, %arg2: memref<10112x1xf32, #tpu.memory_space<vmem>>, %arg3: memref<1x32xf32, #tpu.memory_space<vmem>>, %arg4: memref<10112x32xf32, #tpu.memory_space<vmem>>) attributes {dimension_semantics = [], scalar_prefetch = 0 : i64, scratch_operands = 0 : i64, tpu.core_type = #tpu.core_type<tc>} {
    %get3A = arith.constant 0 : index
    %get3A_0 = arith.constant 0 : index
    %get3A_1 = arith.constant 0 : index
    %get3A_2 = vector.load %arg0[%get3A, %get3A_0, %get3A_1] : memref<2x10112x32xf32, #tpu.memory_space<vmem>>, vector<1x10112x32xf32>
    %get3A_3 = vector.shape_cast %get3A_2 : vector<1x10112x32xf32> to vector<10112x32xf32>
    %get3A_4 = arith.constant 1 : index
    %get3A_5 = arith.constant 0 : index
    %get3A_6 = arith.constant 0 : index
    %get3A_7 = vector.load %arg0[%get3A_4, %get3A_5, %get3A_6] : memref<2x10112x32xf32, #tpu.memory_space<vmem>>, vector<1x10112x32xf32>
    %get3A_8 = vector.shape_cast %get3A_7 : vector<1x10112x32xf32> to vector<10112x32xf32>
    %add3A = arith.addf %get3A_3, %get3A_8 : vector<10112x32xf32>
    %get3A_9 = arith.constant 0 : index
    %get3A_10 = arith.constant 0 : index
    %get3A_11 = vector.load %arg1[%get3A_9, %get3A_10] : memref<10112x32xf32, #tpu.memory_space<vmem>>, vector<10112x32xf32>
    %add3A_12 = arith.addf %add3A, %get3A_11 : vector<10112x32xf32>
    %get3A_13 = arith.constant 0 : index
    %get3A_14 = arith.constant 0 : index
    %get3A_15 = vector.load %arg2[%get3A_13, %get3A_14] : memref<10112x1xf32, #tpu.memory_space<vmem>>, vector<10112x1xf32>
    %mul3A = vector.broadcast %get3A_15 : vector<10112x1xf32> to vector<10112x32xf32>
    %mul3A_16 = arith.mulf %add3A_12, %mul3A : vector<10112x32xf32>
    %get3A_17 = arith.constant 0 : index
    %get3A_18 = arith.constant 0 : index
    %get3A_19 = vector.load %arg3[%get3A_17, %get3A_18] : memref<1x32xf32, #tpu.memory_space<vmem>>, vector<1x32xf32>
    %add3A_20 = vector.broadcast %get3A_19 : vector<1x32xf32> to vector<10112x32xf32>
    %add3A_21 = arith.addf %mul3A_16, %add3A_20 : vector<10112x32xf32>
    %swap3A = arith.constant 0 : index
    %swap3A_22 = arith.constant 0 : index
    %swap3A_23 = vector.load %arg4[%swap3A, %swap3A_22] : memref<10112x32xf32, #tpu.memory_space<vmem>>, vector<10112x32xf32>
    tpu.vector_store %arg4[%swap3A, %swap3A_22], %add3A_21 {strides = array<i32>} : memref<10112x32xf32, #tpu.memory_space<vmem>>, vector<10112x32xf32>,
    return
  }
}

</mosaic_0001>

<sc_bundles>
// kernel: kernel.11.cloned.1.call-start
scs
__scs_entry_jumppad:
0x0: {  	(pc) =	sbr.rel $0x88, $3  }
0x1: {  	(tag) =	ssettag $0x0;
	lr =	simm.s32 $0x1  }
0x2: {  	[smem:$0x3F9B] =	sst lr;
	_ =	strace $0xD0000000  }
0x3: {  	_ = 	snop  }
0x4: {  	_ = 	snop  }
0x5: {  	_ = 	snop  }
0x6: {  	_ = 	snop  }
0x7: {  	_ = 	snop  }
__scs_overlays_trampoline_lowered:
0x8: {  	[smem:$0x3FAA] =	sst s0  }
0x9: {  	[smem:$0x3FAB] =	sst s1  }
0xa: {  	[smem:$0x3FAC] =	sst s2  }
0xb: {  	[smem:$0x3FAD] =	sst s3  }
0xc: {  	[smem:$0x3FAE] =	sst s4  }
0xd: {  	[smem:$0x3FAF] =	sst s5  }
0xe: {  	[smem:$0x3FB0] =	sst s6  }
0xf: {  	[smem:$0x3FB1] =	sst s7  }
0x10: {  	[smem:$0x3FB2] =	sst s8  }
0x11: {  	[smem:$0x3FB3] =	sst s9;
	s0 =	simm.s32 @!p0 $0x0  }
0x12: {  	s1 =	sld [smem:$0x3F99];
	s0 =	simm.s32 @p0 $0x1  }
0x13: {  	[smem:$0x3FB4] =	sst s0;
	s0 =	simm.s32 @!p1 $0x0  }
0x14: {  	s2 =	sld [smem:$0x3F98];
	s0 =	simm.s32 @p1 $0x1  }
0x15: {  	[smem:$0x3FB5] =	sst s0;
	s0 =	simm.s32 @!p2 $0x0  }
0x16: {  	s3 =	sld [smem:$0x3FDB];
	s0 =	simm.s32 @p2 $0x1  }
0x17: {  	s4 =	simm.s32 $0x1BF5;
	[smem:$0x3FB7] =	sst s0  }
0x18: {  	s0 =	sld [smem:$0x3F9A];
	_ =	swait.ge [sflag:s4], $0x0  }
0x19: {  	s7 =	sld [smem:$0x3F9B]  }
0x1a: {  	s8 =	sadd.s32 $0xFFFFE003, lr  }
0x1b: {  	s9 =	sadd.s32 $0xFFFFFEF7, lr;
	s5 =	simm.s32 $0xFFFFFFFF;
	p2 =	slt.u32 s8, $0xFFFFF086  }
0x1c: {  	p1 =	slt.u32 s9, $0xF7A;
	s5 =	simm.s32 @!p2 $0x0  }
0x1d: {  	s5 =	simm.s32 @p1 $0x1;
	p0 =	seq.s32 s7, s2  }
0x1e: {  	s7 =	smul.u32 @!p0 $0xF7A, s2;
	p2 =	seq.s32 @!p0 s5, $0x0  }
0x1f: {  	s9 =	smul.u32 $0xF7A, s1;
	s8 =	simm.s32 @!p0 $0x1BF5;
	p2 =	por !p2, p0  }
0x20: {  	[sflag:s8] =	ssyncset.s32 @!p0 $0xFFFFF086;
	s6 =	sadd.s32 @!p0 s3, s7;
	s7 =	simm.s32 @!p0 $0x108  }
0x21: {  	s3 =	sadd.s32 s3, s9;
	s6 =	sadd.s32 @!p0 $0x88, s6;
	s7 =	simm.s32 @p2 $0x1082  }
0x22: {  	[simem:s7], [sflag:s8] =	dma.local @!p0 [hbm:s6], $0xF7A  }
0x23: {  	s9 =	sor.u32 $0xD0000000, s2;
	s6 =	simm.s32 $0x108;
	_ =	swait.ge @!p0 [sflag:s8], $0x0  }
0x24: {  	s3 =	sadd.s32 $0x88, s3;
	s6 =	simm.s32 @!p1 $0x1082;
	[sflag:s4] =	ssyncset.s32 $0xFFFFF086  }
0x25: {  	[simem:s6], [sflag:s4] =	dma.local [hbm:s3], $0xF7A  }
0x26: {  	[smem:$0x3F9B] =	sst s1;
	(tag) =	ssettag s2;
	_ =	strace s9  }
0x27: {  	s1 =	sld [smem:$0x3FAB]  }
0x28: {  	s2 =	sld [smem:$0x3FAC]  }
0x29: {  	s4 =	sld [smem:$0x3FAE]  }
0x2a: {  	p0 =	seq.s32 s5, $0x0;
	s5 =	sld [smem:$0x3FAF]  }
0x2b: {  	s6 =	sld [smem:$0x3FB0]  }
0x2c: {  	s7 =	sld [smem:$0x3FB1]  }
0x2d: {  	s3 =	simm.s32 $0x108;
	s8 =	sld [smem:$0x3FB2]  }
0x2e: {  	s3 =	simm.s32 @!p0 $0x1082;
	s9 =	sld [smem:$0x3FB3]  }
0x2f: {  	lr =	sadd.s32 s0, s3;
	s0 =	sld [smem:$0x3FAA]  }
0x30: {  	s3 =	sld [smem:$0x3FAD]  }
0x31: {  	[smem:$0x3FB6] =	sst s10  }
0x32: {  	s10 =	sld [smem:$0x3FB4];
	_ =	sdelay $0x3  }
0x33: {  	p0 =	seq.s32 s10, $0x1;
	s10 =	sld [smem:$0x3FB6];
	_ =	sdelay $0x3  }
0x34: {  	[smem:$0x3FB6] =	sst s10  }
0x35: {  	s10 =	sld [smem:$0x3FB5];
	_ =	sdelay $0x3  }
0x36: {  	p1 =	seq.s32 s10, $0x1;
	s10 =	sld [smem:$0x3FB6];
	_ =	sdelay $0x3  }
0x37: {  	[smem:$0x3FB6] =	sst s10  }
0x38: {  	s10 =	sld [smem:$0x3FB7]  }
0x39: {  	_ = 	snop;
	(pc) =	sbr.ind lr, $3  }
0x3a: {  	_ = 	snop  }
0x3b: {  	_ = 	snop  }
0x3c: {  	p2 =	seq.s32 s10, $0x1;
	s10 =	sld [smem:$0x3FB6]  }
0x3d: {  	_ =	shalt  }
0x3e: {  	_ =	shalt  }
0x3f: {  	_ =	shalt  }
0x40: {  	_ =	shalt  }
0x41: {  	_ =	shalt  }
0x42: {  	_ =	shalt  }
0x43: {  	_ =	shalt  }
0x44: {  	_ =	shalt  }
0x45: {  	_ =	shalt  }
0x46: {  	_ =	shalt  }
0x47: {  	_ =	shalt  }
0x48: {  	_ =	shalt  }
0x49: {  	_ =	shalt  }
0x4a: {  	_ =	shalt  }
0x4b: {  	_ =	shalt  }
0x4c: {  	_ =	shalt  }
0x4d: {  	_ =	shalt  }
0x4e: {  	_ =	shalt  }
0x4f: {  	_ =	shalt  }
0x50: {  	_ =	shalt  }
0x51: {  	_ =	shalt  }
0x52: {  	_ =	shalt  }
0x53: {  	_ =	shalt  }
0x54: {  	_ =	shalt  }
0x55: {  	_ =	shalt  }
0x56: {  	_ =	shalt  }
0x57: {  	_ =	shalt  }
0x58: {  	_ =	shalt  }
0x59: {  	_ =	shalt  }
0x5a: {  	_ =	shalt  }
0x5b: {  	_ =	shalt  }
0x5c: {  	_ =	shalt  }
0x5d: {  	_ =	shalt  }
0x5e: {  	_ =	shalt  }
0x5f: {  	_ =	shalt  }
0x60: {  	_ =	shalt  }
0x61: {  	_ =	shalt  }
0x62: {  	_ =	shalt  }
0x63: {  	_ =	shalt  }
0x64: {  	_ =	shalt  }
0x65: {  	_ =	shalt  }
0x66: {  	_ =	shalt  }
0x67: {  	_ =	shalt  }
0x68: {  	_ =	shalt  }
0x69: {  	_ =	shalt  }
0x6a: {  	_ =	shalt  }
0x6b: {  	_ =	shalt  }
0x6c: {  	_ =	shalt  }
0x6d: {  	_ =	shalt  }
0x6e: {  	_ =	shalt  }
0x6f: {  	_ =	shalt  }
0x70: {  	_ =	shalt  }
0x71: {  	_ =	shalt  }
0x72: {  	_ =	shalt  }
0x73: {  	_ =	shalt  }
0x74: {  	_ =	shalt  }
0x75: {  	_ =	shalt  }
0x76: {  	_ =	shalt  }
0x77: {  	_ =	shalt  }
0x78: {  	_ =	shalt  }
0x79: {  	_ =	shalt  }
0x7a: {  	_ =	shalt  }
0x7b: {  	_ =	shalt  }
0x7c: {  	_ =	shalt  }
0x7d: {  	_ =	shalt  }
0x7e: {  	_ =	shalt  }
0x7f: {  	_ =	shalt  }
0x80: {  	_ =	shalt  }
0x81: {  	_ =	shalt  }
0x82: {  	_ =	shalt  }
0x83: {  	_ =	shalt  }
0x84: {  	_ =	shalt  }
0x85: {  	_ =	shalt  }
0x86: {  	_ =	shalt  }
0x87: {  	_ =	shalt  }
.Lfunc_end0:
.L_simem_size_0:
called_computation.1_lowered:
.L_overlay_start_0:
0x88: {  	s2 =	sld [smem:$0x3FD9]  }
0x89: {  	s3 =	sld [smem:$0x3FFE];
	_ =	sdelay $0x1  }
0x8a: {  	s1 =	srdreg.scid  }
0x8b: {  	s0 =	sand.u32 $0x1, s1  }
0x8c: {  	s17 =	sshll.u32 s0, $0xA;
	s2 =	sadd.s32 s3, s2  }
0x8d: {  	s2 =	sadd.s32 s2, s17  }
0x8e: {  	[smem:$0x3FC2] =	sst s2  }
0x8f: {  	_ = 	snop  }
0x90: {  	s2 =	sld [smem:$0x3FD0];
	(tm) =	ssettm $0x1  }
0x91: {  	s18 =	sld [smem:$0x3FFB];
	_ =	sdelay $0x3  }
0x92: {  	_ =	strace s18  }
0x93: {  	s3 =	sld [smem:$0x3FFC];
	_ =	sdelay $0x3  }
0x94: {  	_ =	strace s3  }
0x95: {  	s3 =	sld [smem:$0x3FFD];
	_ =	sdelay $0x3  }
0x96: {  	_ =	strace s3  }
0x97: {  	_ =	strace $0x8FFFFFFF  }
0x98: {  	s19 =	sld [smem:$0x3FDB];
	_ =	sdelay $0x1  }
0x99: {  	s4 =	simm.s32 $_scs_section_size  }
0x9a: {  	s5 =	simm.s32 $_size__tile_overlayer_lowered;
	s6 =	simm.s32 $_tile_overlayer_lowered  }
0x9b: {  	s22 =	simm.s32 $0x1BFF;
	s21 =	sshll.u32 s6, $0x1;
	s3 =	sadd.s32 s4, s19  }
0x9c: {  	s7 =	simm.s32 $0x0;
	s20 =	sshll.u32 s5, $0x1;
	s5 =	sadd.s32 s21, s3  }
0x9d: {  	[timem:s7], [sflag:s22] =	dma.local [hbm:s5], s20  }
0x9e: {  	_ =	swait.ge [sflag:s22], s20  }
0x9f: {  	s4 =	ssub.s32 $0x0, s20;
	[sflag:s22] =	ssyncset.done $0x0  }
0xa0: {  	[sflag:s22] =	ssyncadd.s32 s4;
	_ =	sdelay $0x1  }
0xa1: {  	s23 =	simm.s32 $0x1B8B  }
0xa2: {  	_ =	swait.ge [sflag:s23], $0x1  }
0xa3: {  	[sflag:s23] =	ssyncset.done $0x0  }
0xa4: {  	s25 =	simm.s32 $0x1B8E;
	s24 =	sld [smem:$0x3FFE];
	[sflag:s23] =	ssyncadd.s32 $0xFFFFFFFF  }
0xa5: {  	s26 =	simm.s32 $execute0_lowered;
	[smem:$0x3FD2] =	sst s25  }
0xa6: {  	s5 =	sshll.u32 s26, $0x1;
	_ =	strace $0x80000049;
	[dreg:$0x1] =	wrdreg $0xFFFFFFFF  }
0xa7: {  	s28 =	simm.s32 $_size_execute0_lowered;
	s3 =	sadd.s32 s3, s5;
	[dreg:$0x0] =	wrdreg $0x0  }
0xa8: {  	s5 =	sshll.u32 s28, $0x1;
	[dreg:$0x2] =	wrdreg s3  }
0xa9: {  	[dreg:$0x3] =	wrdreg s5  }
0xaa: {  	[dreg:$0x4] =	wrdreg $0xC0  }
0xab: {  	_ =	task [dreg:s7], $0x5FFFF  }
0xac: {  	[dreg:$0x1] =	wrdreg $0xFFFFFFFF  }
0xad: {  	[dreg:$0x0] =	wrdreg $0x60  }
0xae: {  	[dreg:$0x2] =	wrdreg s2  }
0xaf: {  	[dreg:$0x3] =	wrdreg s24  }
0xb0: {  	[dreg:$0x4] =	wrdreg $0x6F000  }
0xb1: {  	[dreg:$0x5] =	wrdreg $0x10D000  }
0xb2: {  	[dreg:$0x6] =	wrdreg $0x9  }
0xb3: {  	_ =	task.clear_ibuf [dreg:s7], $0x7FFFF;
	_ =	strace $0x90000049  }
0xb4: {  	s29 =	simm.s32 $0x9;
	_ =	strace $0x8000004B  }
0xb5: {  	_ =	swait.ge [sflag:s29], $0x1  }
0xb6: {  	[sflag:s29] =	ssyncadd.s32 $0xFFFFFFFF  }
0xb7: {  	_ =	strace $0x9000004B  }
0xb8: {  	_ =	sfence  }
0xb9: {  	s30 =	sld [smem:$0x0];
	_ =	sdelay $0x2  }
0xba: {  	s31 =	sshll.u32 s1, $0xD;
	s1 =	sshrl.u32 s1, $0x2  }
0xbb: {  	s3 =	sand.u32 $0x4000, s31;
	s1 =	sadd.s32 s1, s30  }
0xbc: {  	s0 =	sor.u32 s3, s0;
	s1 =	sshll.u32 s1, $0x11  }
0xbd: {  	s0 =	sor.u32 s1, s0  }
0xbe: {  	s0 =	sadd.s32 $0x8F2B, s0  }
0xbf: {  	[sflag:s0] =	ssyncadd.remote.s32 $0x1  }
0xc0: {  	_ =	sfence.sel $0xFFFF  }
0xc1: {  	[dreg:$0x0] =	wrdreg $0xFFFFFFFF;
	(pc) =	sbr.abs _section_cstart, $3  }
0xc2: {  	[dreg:$0x1] =	wrdreg $0xFFFFFFFF  }
0xc3: {  	_ =	task.clear_ibuf [dreg:s7], $0x2FFFF;
	_ =	strace $0x9FFFFFFF  }
0xc4: {  	(tm) =	ssettm $0x7FFFFFFF  }
0xc5: {  	_ =	shalt  }
tec
execute0_lowered:
.L_overlay_start_1:
0x0: {  	(tag) =	ssettag $0x1  }
0x1: {  	s5 =	rddreg [dreg:$0x0]  }
0x2: {  	s6 =	rddreg [dreg:$0x1]  }
0x3: {  	s1 =	srdreg.scid;
	s2 =	rddreg [dreg:$0x2]  }
0x4: {  	s0 =	stileid.u32;
	s3 =	rddreg [dreg:$0x3];
	s4 =	simm.s32 $0x0  }
0x5: {  	s16 =	simm.s32 $0x80;
	s17 =	simm.s32 $0x4F00;
	s18 =	simm.s32 $0x1  }
0x6: {  	s19 =	simm.s32 $0x0;
	s7 =	sand.u32 $0x1, s1;
	s30 =	sshll.u32 s0, $0x1  }
0x7: {  	s9 =	smul.u32 $0x9E00, s0;
	[smem:$0x7FF] =	sst s4;
	s31 =	sshll.u32 s0, $0x6  }
0x8: {  	s1 =	sor.u32 s7, s30;
	s10 =	smul.u32 $0x9E000, s7;
	s7 =	ssub.s32 $0x2, s7  }
0x9: {  	s8 =	smul.u32 $0x4F0, s1;
	s1 =	rddreg [dreg:$0x4];
	_ =	strace $0x8000004A  }
0xa: {  	s12 =	sshrl.u32 s9, $0x3;
	s13 =	sshrl.u32 s7, $0x1;
	s14 =	sadd.s32 s9, s2  }
0xb: {  	s15 =	sadd.s32 s9, s3;
	s10 =	sadd.s32 s9, s10;
	s12 =	sadd.s32 s12, s6  }
0xc: {  	s13 =	ssub.s32 s7, s13;
	s14 =	sshrl.u32 s14, $0x3;
	s15 =	sshrl.u32 s15, $0x3  }
0xd: {  	s11 =	sadd.s32 s8, s6;
	s10 =	sshrl.u32 s10, $0x3;
	s5 =	sadd.s32 s5, s8  }
0xe: {  	s7 =	sadd.s32 $0x1F600, s12;
	s8 =	sadd.s32 $0xBA00, s12;
	s12 =	simm.s32 $0x2780  }
0xf: {  	s10 =	sadd.s32 s10, s6;
	s6 =	sadd.s32 $0x1C00, s11;
	s11 =	simm.s32 $0x2  }
0x10: {  	s9 =	sadd.s32 $0x33200, s10;
	s10 =	smax.u32 s13, $0x1;
	s13 =	sor.u32 $0x1C02, s31  }
.LBB2_1:
0x11: {  	[tilespmem:s4], [sflag:$0x2] =	stream.linear.gather [hbm4b:s5+s4], $0x2780, $0x38;
	[tilespmem:$0x1AB00] =	vst v63  }
0x12: {  	_ =	swait.ge [sflag:s11], $0x2780  }
0x13: {  	[sflag:s11] =	ssyncset.done $0x0  }
0x14: {  	[sflag:s11] =	ssyncadd.s32 $0xFFFFD880  }
0x15: {  	[tilespmem:s12], [sflag:$0x2] =	stream.linear.gather [hbm4b:s6+s4], $0x2780, $0x38;
	[tilespmem:$0x1AB00] =	vst v63  }
0x16: {  	_ =	swait.ge [sflag:s11], $0x2780  }
0x17: {  	[sflag:s11] =	ssyncset.done $0x0  }
0x18: {  	[sflag:s11] =	ssyncadd.s32 $0xFFFFD880  }
0x19: {  	[spmem:s14], [sflag:s13] =	dma.local [hbm:s7], $0x13C0  }
0x1a: {  	_ =	swait.ge [sflag:s11], $0x13C0  }
0x1b: {  	[sflag:s11] =	ssyncset.done $0x0  }
0x1c: {  	[sflag:s11] =	ssyncadd.s32 $0xFFFFEC40  }
0x1d: {  	[spmem:s15], [sflag:s13] =	dma.local [hbm:s8], $0x13C0  }
0x1e: {  	_ =	swait.ge [sflag:s11], $0x13C0  }
0x1f: {  	[sflag:s11] =	ssyncset.done $0x0  }
0x20: {  	[sflag:s11] =	ssyncadd.s32 $0xFFFFEC40  }
0x21: {  	s20 =	simm.s32 $0x0;
	[bflag:$0x0] =	sbarrier.arrive $0xFFFF  }
0x22: {  	[tilespmem:s17], [sflag:$0x1] =	stream.indirect.gather [spmem:s3], $0x40, s20, s16, $0xb8;
	[tilespmem:$0x1AB00] =	vst v63  }
0x23: {  	_ =	swait.ge [sflag:s18], $0x2000  }
0x24: {  	[sflag:s18] =	ssyncset.done $0x0  }
0x25: {  	s31 =	simm.s32 $0x2780;
	[sflag:s18] =	ssyncadd.s32 $0xFFFFE000  }
0x26: {  	[spmem:s2] =	stream.indirect.scatter.add.f32 [tilespmem:s17], [sflag:$0x2], $0x40, s31, s16, $0xb8;
	[tilespmem:$0x1AB00] =	vst v63  }
0x27: {  	_ =	swait.ge [sflag:s11], $0x2000  }
0x28: {  	s21 =	simm.s32 $0x400;
	s20 =	simm.s32 $0x200;
	[sflag:s11] =	ssyncset.done $0x0  }
.LBB2_2:
0x29: {  	s22 =	sshra.s32 s20, $0x2  }
0x2a: {  	[sflag:s11] =	ssyncadd.s32 $0xFFFFE000;
	s20 =	smov.u32 s21;
	s23 =	sadd.s32 $0x200, s21  }
0x2b: {  	[tilespmem:s17], [sflag:$0x1] =	stream.indirect.gather [spmem:s3], $0x40, s22, s16, $0xb8;
	[tilespmem:$0x1AB00] =	vst v63  }
0x2c: {  	p0 =	sne.s32 s21, $0x9C00;
	_ =	swait.ge [sflag:s18], $0x2000  }
.Ltmp0:
0x2d: {  	[sflag:s18] =	ssyncset.done $0x0;
	(pc) =	sbr.rel @p0 .LBB2_2-.Ltmp0, $4  }
0x2e: {  	s21 =	sadd.s32 $0x2780, s22;
	[sflag:s18] =	ssyncadd.s32 $0xFFFFE000  }
0x2f: {  	[spmem:s2] =	stream.indirect.scatter.add.f32 [tilespmem:s17], [sflag:$0x2], $0x40, s21, s16, $0xb8;
	[tilespmem:$0x1AB00] =	vst v63  }
0x30: {  	_ =	swait.ge [sflag:s11], $0x2000  }
0x31: {  	s21 =	smov.u32 s23;
	[sflag:s11] =	ssyncset.done $0x0  }
0x32: {  	s20 =	sshra.s32 s20, $0x2;
	[sflag:s11] =	ssyncadd.s32 $0xFFFFE000  }
0x33: {  	[tilespmem:s17], [sflag:$0x1] =	stream.indirect.gather [spmem:s3], $0x40, s20, s16, $0xb8;
	[tilespmem:$0x1AB00] =	vst v63  }
0x34: {  	_ =	swait.ge [sflag:s18], $0x2000  }
0x35: {  	[sflag:s18] =	ssyncset.done $0x0  }
0x36: {  	s20 =	sadd.s32 $0x2780, s20;
	[sflag:s18] =	ssyncadd.s32 $0xFFFFE000  }
0x37: {  	[spmem:s2] =	stream.indirect.scatter.add.f32 [tilespmem:s17], [sflag:$0x2], $0x40, s20, s16, $0xb8;
	[tilespmem:$0x1AB00] =	vst v63  }
0x38: {  	_ =	swait.ge [sflag:s11], $0x2000  }
0x39: {  	s19 =	sadd.s32 $0x1, s19;
	[sflag:s11] =	ssyncset.done $0x0  }
0x3a: {  	p0 =	sne.s32 s19, s10;
	[sflag:s11] =	ssyncadd.s32 $0xFFFFE000  }
.Ltmp1:
0x3b: {  	[bflag:$0x0] =	sbarrier.arrive $0xFFFF;
	(pc) =	sbr.rel @p0 .LBB2_1-.Ltmp1, $4  }
0x3c: {  	[hbm:s9], [sflag:s13] =	dma.local [spmem:s14], $0x13C0  }
0x3d: {  	_ =	swait.ge [sflag:s11], $0x13C0  }
0x3e: {  	[sflag:s11] =	ssyncset.done $0x0  }
0x3f: {  	[sflag:s11] =	ssyncadd.s32 $0xFFFFEC40  }
0x40: {  	_ =	sfence.sel $0x180000  }
0x41: {  	[bflag:$0x0] =	sbarrier.arrive $0xFFFF  }
0x42: {  	p0 =	sne.s32 s0, $0x0;
	_ =	strace $0x9000004A  }
0x43: {  	s0 =	sadd.s32 @!p0 $0x100000, s1;
	[bflag:$0x2] =	sbarrier.arrive $0xFFFF  }
0x44: {  	[sflag:s0] =	ssyncadd.tile.s32 @!p0 $0x1;
	_ =	shalt  }
.Lfunc_end2:
_tile_overlayer_lowered:
.L_overlay_start_2:
0x45: {  	(tag) =	ssettag $0x2  }
0x46: {  	s0 =	rddreg [dreg:$0x0];
	s2 =	stileid.u32  }
0x47: {  	s1 =	rddreg [dreg:$0x1];
	p0 =	sne.s32 s2, $0x0  }
0x48: {  	s3 =	rddreg [dreg:$0x2];
	[bflag:$0x3] =	sbarrier.arrive $0xFFFF;
	s2 =	simm.s32 @!p0 $0x1C02  }
0x49: {  	[timem:s3], [sflag:s2] =	dma.local @!p0 [hbm:s0], s1  }
0x4a: {  	s0 =	simm.s32 @!p0 $0x2  }
0x4b: {  	_ =	swait.ge @!p0 [sflag:s0], s1  }
0x4c: {  	s1 =	ssub.s32 @!p0 $0x0, s1;
	[sflag:s0] =	ssyncset.done @!p0 $0x0  }
0x4d: {  	[sflag:s0] =	ssyncadd.s32 @!p0 s1  }
0x4e: {  	[bflag:$0x3] =	sbarrier.arrive $0xFFFF  }
0x4f: {  	_ =	shalt  }

// kernel: kernel.14.cloned.1.call-start
scs
__scs_entry_jumppad:
0x0: {  	(pc) =	sbr.rel $0x88, $3  }
0x1: {  	(tag) =	ssettag $0x0;
	lr =	simm.s32 $0x1  }
0x2: {  	[smem:$0x3F9B] =	sst lr;
	_ =	strace $0xD0000000  }
0x3: {  	_ = 	snop  }
0x4: {  	_ = 	snop  }
0x5: {  	_ = 	snop  }
0x6: {  	_ = 	snop  }
0x7: {  	_ = 	snop  }
__scs_overlays_trampoline_lowered:
0x8: {  	[smem:$0x3FAA] =	sst s0  }
0x9: {  	[smem:$0x3FAB] =	sst s1  }
0xa: {  	[smem:$0x3FAC] =	sst s2  }
0xb: {  	[smem:$0x3FAD] =	sst s3  }
0xc: {  	[smem:$0x3FAE] =	sst s4  }
0xd: {  	[smem:$0x3FAF] =	sst s5  }
0xe: {  	[smem:$0x3FB0] =	sst s6  }
0xf: {  	[smem:$0x3FB1] =	sst s7  }
0x10: {  	[smem:$0x3FB2] =	sst s8  }
0x11: {  	[smem:$0x3FB3] =	sst s9;
	s0 =	simm.s32 @!p0 $0x0  }
0x12: {  	s1 =	sld [smem:$0x3F99];
	s0 =	simm.s32 @p0 $0x1  }
0x13: {  	[smem:$0x3FB4] =	sst s0;
	s0 =	simm.s32 @!p1 $0x0  }
0x14: {  	s2 =	sld [smem:$0x3F98];
	s0 =	simm.s32 @p1 $0x1  }
0x15: {  	[smem:$0x3FB5] =	sst s0;
	s0 =	simm.s32 @!p2 $0x0  }
0x16: {  	s3 =	sld [smem:$0x3FDB];
	s0 =	simm.s32 @p2 $0x1  }
0x17: {  	s4 =	simm.s32 $0x1BF5;
	[smem:$0x3FB7] =	sst s0  }
0x18: {  	s0 =	sld [smem:$0x3F9A];
	_ =	swait.ge [sflag:s4], $0x0  }
0x19: {  	s7 =	sld [smem:$0x3F9B]  }
0x1a: {  	s8 =	sadd.s32 $0xFFFFE003, lr  }
0x1b: {  	s9 =	sadd.s32 $0xFFFFFEF7, lr;
	s5 =	simm.s32 $0xFFFFFFFF;
	p2 =	slt.u32 s8, $0xFFFFF086  }
0x1c: {  	p1 =	slt.u32 s9, $0xF7A;
	s5 =	simm.s32 @!p2 $0x0  }
0x1d: {  	s5 =	simm.s32 @p1 $0x1;
	p0 =	seq.s32 s7, s2  }
0x1e: {  	s7 =	smul.u32 @!p0 $0xF7A, s2;
	p2 =	seq.s32 @!p0 s5, $0x0  }
0x1f: {  	s9 =	smul.u32 $0xF7A, s1;
	s8 =	simm.s32 @!p0 $0x1BF5;
	p2 =	por !p2, p0  }
0x20: {  	[sflag:s8] =	ssyncset.s32 @!p0 $0xFFFFF086;
	s6 =	sadd.s32 @!p0 s3, s7;
	s7 =	simm.s32 @!p0 $0x108  }
0x21: {  	s3 =	sadd.s32 s3, s9;
	s6 =	sadd.s32 @!p0 $0x88, s6;
	s7 =	simm.s32 @p2 $0x1082  }
0x22: {  	[simem:s7], [sflag:s8] =	dma.local @!p0 [hbm:s6], $0xF7A  }
0x23: {  	s9 =	sor.u32 $0xD0000000, s2;
	s6 =	simm.s32 $0x108;
	_ =	swait.ge @!p0 [sflag:s8], $0x0  }
0x24: {  	s3 =	sadd.s32 $0x88, s3;
	s6 =	simm.s32 @!p1 $0x1082;
	[sflag:s4] =	ssyncset.s32 $0xFFFFF086  }
0x25: {  	[simem:s6], [sflag:s4] =	dma.local [hbm:s3], $0xF7A  }
0x26: {  	[smem:$0x3F9B] =	sst s1;
	(tag) =	ssettag s2;
	_ =	strace s9  }
0x27: {  	s1 =	sld [smem:$0x3FAB]  }
0x28: {  	s2 =	sld [smem:$0x3FAC]  }
0x29: {  	s4 =	sld [smem:$0x3FAE]  }
0x2a: {  	p0 =	seq.s32 s5, $0x0;
	s5 =	sld [smem:$0x3FAF]  }
0x2b: {  	s6 =	sld [smem:$0x3FB0]  }
0x2c: {  	s7 =	sld [smem:$0x3FB1]  }
0x2d: {  	s3 =	simm.s32 $0x108;
	s8 =	sld [smem:$0x3FB2]  }
0x2e: {  	s3 =	simm.s32 @!p0 $0x1082;
	s9 =	sld [smem:$0x3FB3]  }
0x2f: {  	lr =	sadd.s32 s0, s3;
	s0 =	sld [smem:$0x3FAA]  }
0x30: {  	s3 =	sld [smem:$0x3FAD]  }
0x31: {  	[smem:$0x3FB6] =	sst s10  }
0x32: {  	s10 =	sld [smem:$0x3FB4];
	_ =	sdelay $0x3  }
0x33: {  	p0 =	seq.s32 s10, $0x1;
	s10 =	sld [smem:$0x3FB6];
	_ =	sdelay $0x3  }
0x34: {  	[smem:$0x3FB6] =	sst s10  }
0x35: {  	s10 =	sld [smem:$0x3FB5];
	_ =	sdelay $0x3  }
0x36: {  	p1 =	seq.s32 s10, $0x1;
	s10 =	sld [smem:$0x3FB6];
	_ =	sdelay $0x3  }
0x37: {  	[smem:$0x3FB6] =	sst s10  }
0x38: {  	s10 =	sld [smem:$0x3FB7]  }
0x39: {  	_ = 	snop;
	(pc) =	sbr.ind lr, $3  }
0x3a: {  	_ = 	snop  }
0x3b: {  	_ = 	snop  }
0x3c: {  	p2 =	seq.s32 s10, $0x1;
	s10 =	sld [smem:$0x3FB6]  }
0x3d: {  	_ =	shalt  }
0x3e: {  	_ =	shalt  }
0x3f: {  	_ =	shalt  }
0x40: {  	_ =	shalt  }
0x41: {  	_ =	shalt  }
0x42: {  	_ =	shalt  }
0x43: {  	_ =	shalt  }
0x44: {  	_ =	shalt  }
0x45: {  	_ =	shalt  }
0x46: {  	_ =	shalt  }
0x47: {  	_ =	shalt  }
0x48: {  	_ =	shalt  }
0x49: {  	_ =	shalt  }
0x4a: {  	_ =	shalt  }
0x4b: {  	_ =	shalt  }
0x4c: {  	_ =	shalt  }
0x4d: {  	_ =	shalt  }
0x4e: {  	_ =	shalt  }
0x4f: {  	_ =	shalt  }
0x50: {  	_ =	shalt  }
0x51: {  	_ =	shalt  }
0x52: {  	_ =	shalt  }
0x53: {  	_ =	shalt  }
0x54: {  	_ =	shalt  }
0x55: {  	_ =	shalt  }
0x56: {  	_ =	shalt  }
0x57: {  	_ =	shalt  }
0x58: {  	_ =	shalt  }
0x59: {  	_ =	shalt  }
0x5a: {  	_ =	shalt  }
0x5b: {  	_ =	shalt  }
0x5c: {  	_ =	shalt  }
0x5d: {  	_ =	shalt  }
0x5e: {  	_ =	shalt  }
0x5f: {  	_ =	shalt  }
0x60: {  	_ =	shalt  }
0x61: {  	_ =	shalt  }
0x62: {  	_ =	shalt  }
0x63: {  	_ =	shalt  }
0x64: {  	_ =	shalt  }
0x65: {  	_ =	shalt  }
0x66: {  	_ =	shalt  }
0x67: {  	_ =	shalt  }
0x68: {  	_ =	shalt  }
0x69: {  	_ =	shalt  }
0x6a: {  	_ =	shalt  }
0x6b: {  	_ =	shalt  }
0x6c: {  	_ =	shalt  }
0x6d: {  	_ =	shalt  }
0x6e: {  	_ =	shalt  }
0x6f: {  	_ =	shalt  }
0x70: {  	_ =	shalt  }
0x71: {  	_ =	shalt  }
0x72: {  	_ =	shalt  }
0x73: {  	_ =	shalt  }
0x74: {  	_ =	shalt  }
0x75: {  	_ =	shalt  }
0x76: {  	_ =	shalt  }
0x77: {  	_ =	shalt  }
0x78: {  	_ =	shalt  }
0x79: {  	_ =	shalt  }
0x7a: {  	_ =	shalt  }
0x7b: {  	_ =	shalt  }
0x7c: {  	_ =	shalt  }
0x7d: {  	_ =	shalt  }
0x7e: {  	_ =	shalt  }
0x7f: {  	_ =	shalt  }
0x80: {  	_ =	shalt  }
0x81: {  	_ =	shalt  }
0x82: {  	_ =	shalt  }
0x83: {  	_ =	shalt  }
0x84: {  	_ =	shalt  }
0x85: {  	_ =	shalt  }
0x86: {  	_ =	shalt  }
0x87: {  	_ =	shalt  }
.Lfunc_end0:
.L_simem_size_0:
called_computation.2_lowered:
.L_overlay_start_0:
0x88: {  	s2 =	sld [smem:$0x3FD9]  }
0x89: {  	s3 =	sld [smem:$0x3FFE];
	_ =	sdelay $0x1  }
0x8a: {  	s1 =	srdreg.scid  }
0x8b: {  	s0 =	sand.u32 $0x1, s1  }
0x8c: {  	s17 =	sshll.u32 s0, $0xA;
	s2 =	sadd.s32 s3, s2  }
0x8d: {  	s2 =	sadd.s32 s2, s17  }
0x8e: {  	[smem:$0x3FC2] =	sst s2  }
0x8f: {  	_ = 	snop  }
0x90: {  	s2 =	sld [smem:$0x3FD0];
	(tm) =	ssettm $0x1  }
0x91: {  	s18 =	sld [smem:$0x3FFB];
	_ =	sdelay $0x3  }
0x92: {  	_ =	strace s18  }
0x93: {  	s3 =	sld [smem:$0x3FFC];
	_ =	sdelay $0x3  }
0x94: {  	_ =	strace s3  }
0x95: {  	s3 =	sld [smem:$0x3FFD];
	_ =	sdelay $0x3  }
0x96: {  	_ =	strace s3  }
0x97: {  	_ =	strace $0x8FFFFFFF  }
0x98: {  	s19 =	sld [smem:$0x3FDB];
	_ =	sdelay $0x1  }
0x99: {  	s4 =	simm.s32 $_scs_section_size  }
0x9a: {  	s5 =	simm.s32 $_size__tile_overlayer_lowered;
	s6 =	simm.s32 $_tile_overlayer_lowered  }
0x9b: {  	s22 =	simm.s32 $0x1BFF;
	s21 =	sshll.u32 s6, $0x1;
	s3 =	sadd.s32 s4, s19  }
0x9c: {  	s7 =	simm.s32 $0x0;
	s20 =	sshll.u32 s5, $0x1;
	s5 =	sadd.s32 s21, s3  }
0x9d: {  	[timem:s7], [sflag:s22] =	dma.local [hbm:s5], s20  }
0x9e: {  	_ =	swait.ge [sflag:s22], s20  }
0x9f: {  	s4 =	ssub.s32 $0x0, s20;
	[sflag:s22] =	ssyncset.done $0x0  }
0xa0: {  	[sflag:s22] =	ssyncadd.s32 s4;
	_ =	sdelay $0x1  }
0xa1: {  	s23 =	simm.s32 $0x1B8B  }
0xa2: {  	_ =	swait.ge [sflag:s23], $0x1  }
0xa3: {  	[sflag:s23] =	ssyncset.done $0x0  }
0xa4: {  	s25 =	simm.s32 $0x1B8E;
	s24 =	sld [smem:$0x3FFE];
	[sflag:s23] =	ssyncadd.s32 $0xFFFFFFFF  }
0xa5: {  	s26 =	simm.s32 $execute0_lowered;
	[smem:$0x3FD2] =	sst s25  }
0xa6: {  	s5 =	sshll.u32 s26, $0x1;
	_ =	strace $0x8000004C;
	[dreg:$0x1] =	wrdreg $0xFFFFFFFF  }
0xa7: {  	s28 =	simm.s32 $_size_execute0_lowered;
	s3 =	sadd.s32 s3, s5;
	[dreg:$0x0] =	wrdreg $0x0  }
0xa8: {  	s5 =	sshll.u32 s28, $0x1;
	[dreg:$0x2] =	wrdreg s3  }
0xa9: {  	[dreg:$0x3] =	wrdreg s5  }
0xaa: {  	[dreg:$0x4] =	wrdreg $0xC0  }
0xab: {  	_ =	task [dreg:s7], $0x5FFFF  }
0xac: {  	[dreg:$0x1] =	wrdreg $0xFFFFFFFF  }
0xad: {  	[dreg:$0x0] =	wrdreg $0x60  }
0xae: {  	[dreg:$0x2] =	wrdreg s2  }
0xaf: {  	[dreg:$0x3] =	wrdreg s24  }
0xb0: {  	[dreg:$0x4] =	wrdreg $0x5F000  }
0xb1: {  	[dreg:$0x5] =	wrdreg $0xAE000  }
0xb2: {  	[dreg:$0x6] =	wrdreg $0x9  }
0xb3: {  	_ =	task.clear_ibuf [dreg:s7], $0x7FFFF;
	_ =	strace $0x9000004C  }
0xb4: {  	s29 =	simm.s32 $0x9;
	_ =	strace $0x8000004E  }
0xb5: {  	_ =	swait.ge [sflag:s29], $0x1  }
0xb6: {  	[sflag:s29] =	ssyncadd.s32 $0xFFFFFFFF  }
0xb7: {  	_ =	strace $0x9000004E  }
0xb8: {  	_ =	sfence  }
0xb9: {  	s30 =	sld [smem:$0x0];
	_ =	sdelay $0x2  }
0xba: {  	s31 =	sshll.u32 s1, $0xD;
	s1 =	sshrl.u32 s1, $0x2  }
0xbb: {  	s3 =	sand.u32 $0x4000, s31;
	s1 =	sadd.s32 s1, s30  }
0xbc: {  	s0 =	sor.u32 s3, s0;
	s1 =	sshll.u32 s1, $0x11  }
0xbd: {  	s0 =	sor.u32 s1, s0  }
0xbe: {  	s0 =	sadd.s32 $0x8F2B, s0  }
0xbf: {  	[sflag:s0] =	ssyncadd.remote.s32 $0x1  }
0xc0: {  	_ =	sfence.sel $0xFFFF  }
0xc1: {  	[dreg:$0x0] =	wrdreg $0xFFFFFFFF;
	(pc) =	sbr.abs _section_cstart, $3  }
0xc2: {  	[dreg:$0x1] =	wrdreg $0xFFFFFFFF  }
0xc3: {  	_ =	task.clear_ibuf [dreg:s7], $0x2FFFF;
	_ =	strace $0x9FFFFFFF  }
0xc4: {  	(tm) =	ssettm $0x7FFFFFFF  }
0xc5: {  	_ =	shalt  }
tec
execute0_lowered:
.L_overlay_start_1:
0x0: {  	(tag) =	ssettag $0x1  }
0x1: {  	s5 =	rddreg [dreg:$0x0]  }
0x2: {  	s6 =	rddreg [dreg:$0x1]  }
0x3: {  	s1 =	srdreg.scid;
	s2 =	rddreg [dreg:$0x2]  }
0x4: {  	s0 =	stileid.u32;
	s3 =	rddreg [dreg:$0x3];
	s4 =	simm.s32 $0x0  }
0x5: {  	s16 =	simm.s32 $0x80;
	s17 =	simm.s32 $0x4F00;
	s18 =	simm.s32 $0x1  }
0x6: {  	s19 =	simm.s32 $0x0;
	s7 =	sand.u32 $0x1, s1;
	s30 =	sshll.u32 s0, $0x1  }
0x7: {  	s9 =	smul.u32 $0x4F00, s0;
	[smem:$0x7FF] =	sst s4;
	s31 =	sshll.u32 s0, $0x6  }
0x8: {  	s1 =	sor.u32 s7, s30;
	s10 =	smul.u32 $0x4F000, s7;
	s7 =	ssub.s32 $0x2, s7  }
0x9: {  	s8 =	smul.u32 $0x4F0, s1;
	s1 =	rddreg [dreg:$0x4];
	_ =	strace $0x8000004D  }
0xa: {  	s12 =	sshrl.u32 s9, $0x3;
	s13 =	sshrl.u32 s7, $0x1;
	s14 =	sadd.s32 s9, s2  }
0xb: {  	s15 =	sadd.s32 s9, s3;
	s10 =	sadd.s32 s9, s10;
	s12 =	sadd.s32 s12, s6  }
0xc: {  	s13 =	ssub.s32 s7, s13;
	s14 =	sshrl.u32 s14, $0x3;
	s15 =	sshrl.u32 s15, $0x3  }
0xd: {  	s11 =	sadd.s32 s8, s6;
	s10 =	sshrl.u32 s10, $0x3;
	s5 =	sadd.s32 s5, s8  }
0xe: {  	s7 =	sadd.s32 $0x15800, s12;
	s8 =	sadd.s32 $0xBA00, s12;
	s12 =	simm.s32 $0x2780  }
0xf: {  	s10 =	sadd.s32 s10, s6;
	s6 =	sadd.s32 $0x1C00, s11;
	s11 =	simm.s32 $0x2  }
0x10: {  	s9 =	sadd.s32 $0x1F600, s10;
	s10 =	smax.u32 s13, $0x1;
	s13 =	sor.u32 $0x1C02, s31  }
.LBB2_1:
0x11: {  	[tilespmem:s4], [sflag:$0x2] =	stream.linear.gather [hbm4b:s5+s4], $0x2780, $0x38;
	[tilespmem:$0xFD00] =	vst v63  }
0x12: {  	_ =	swait.ge [sflag:s11], $0x2780  }
0x13: {  	[sflag:s11] =	ssyncset.done $0x0  }
0x14: {  	[sflag:s11] =	ssyncadd.s32 $0xFFFFD880  }
0x15: {  	[tilespmem:s12], [sflag:$0x2] =	stream.linear.gather [hbm4b:s6+s4], $0x2780, $0x38;
	[tilespmem:$0xFD00] =	vst v63  }
0x16: {  	_ =	swait.ge [sflag:s11], $0x2780  }
0x17: {  	[sflag:s11] =	ssyncset.done $0x0  }
0x18: {  	[sflag:s11] =	ssyncadd.s32 $0xFFFFD880  }
0x19: {  	[spmem:s14], [sflag:s13] =	dma.local [hbm:s7], $0x9E0  }
0x1a: {  	_ =	swait.ge [sflag:s11], $0x9E0  }
0x1b: {  	[sflag:s11] =	ssyncset.done $0x0  }
0x1c: {  	[sflag:s11] =	ssyncadd.s32 $0xFFFFF620  }
0x1d: {  	[spmem:s15], [sflag:s13] =	dma.local [hbm:s8], $0x9E0  }
0x1e: {  	_ =	swait.ge [sflag:s11], $0x9E0  }
0x1f: {  	[sflag:s11] =	ssyncset.done $0x0  }
0x20: {  	[sflag:s11] =	ssyncadd.s32 $0xFFFFF620  }
0x21: {  	s20 =	simm.s32 $0x0;
	[bflag:$0x0] =	sbarrier.arrive $0xFFFF  }
0x22: {  	[tilespmem:s17], [sflag:$0x1] =	stream.indirect.gather [spmem:s3], $0x20, s20, s16, $0xb8;
	[tilespmem:$0xFD00] =	vst v63  }
0x23: {  	_ =	swait.ge [sflag:s18], $0x1000  }
0x24: {  	[sflag:s18] =	ssyncset.done $0x0  }
0x25: {  	s31 =	simm.s32 $0x2780;
	[sflag:s18] =	ssyncadd.s32 $0xFFFFF000  }
0x26: {  	[spmem:s2] =	stream.indirect.scatter.add.f32 [tilespmem:s17], [sflag:$0x2], $0x20, s31, s16, $0xb8;
	[tilespmem:$0xFD00] =	vst v63  }
0x27: {  	_ =	swait.ge [sflag:s11], $0x1000  }
0x28: {  	s21 =	simm.s32 $0x400;
	s20 =	simm.s32 $0x200;
	[sflag:s11] =	ssyncset.done $0x0  }
.LBB2_2:
0x29: {  	s22 =	sshra.s32 s20, $0x2  }
0x2a: {  	[sflag:s11] =	ssyncadd.s32 $0xFFFFF000;
	s20 =	smov.u32 s21;
	s23 =	sadd.s32 $0x200, s21  }
0x2b: {  	[tilespmem:s17], [sflag:$0x1] =	stream.indirect.gather [spmem:s3], $0x20, s22, s16, $0xb8;
	[tilespmem:$0xFD00] =	vst v63  }
0x2c: {  	p0 =	sne.s32 s21, $0x9C00;
	_ =	swait.ge [sflag:s18], $0x1000  }
.Ltmp0:
0x2d: {  	[sflag:s18] =	ssyncset.done $0x0;
	(pc) =	sbr.rel @p0 .LBB2_2-.Ltmp0, $4  }
0x2e: {  	s21 =	sadd.s32 $0x2780, s22;
	[sflag:s18] =	ssyncadd.s32 $0xFFFFF000  }
0x2f: {  	[spmem:s2] =	stream.indirect.scatter.add.f32 [tilespmem:s17], [sflag:$0x2], $0x20, s21, s16, $0xb8;
	[tilespmem:$0xFD00] =	vst v63  }
0x30: {  	_ =	swait.ge [sflag:s11], $0x1000  }
0x31: {  	s21 =	smov.u32 s23;
	[sflag:s11] =	ssyncset.done $0x0  }
0x32: {  	s20 =	sshra.s32 s20, $0x2;
	[sflag:s11] =	ssyncadd.s32 $0xFFFFF000  }
0x33: {  	[tilespmem:s17], [sflag:$0x1] =	stream.indirect.gather [spmem:s3], $0x20, s20, s16, $0xb8;
	[tilespmem:$0xFD00] =	vst v63  }
0x34: {  	_ =	swait.ge [sflag:s18], $0x1000  }
0x35: {  	[sflag:s18] =	ssyncset.done $0x0  }
0x36: {  	s20 =	sadd.s32 $0x2780, s20;
	[sflag:s18] =	ssyncadd.s32 $0xFFFFF000  }
0x37: {  	[spmem:s2] =	stream.indirect.scatter.add.f32 [tilespmem:s17], [sflag:$0x2], $0x20, s20, s16, $0xb8;
	[tilespmem:$0xFD00] =	vst v63  }
0x38: {  	_ =	swait.ge [sflag:s11], $0x1000  }
0x39: {  	s19 =	sadd.s32 $0x1, s19;
	[sflag:s11] =	ssyncset.done $0x0  }
0x3a: {  	p0 =	sne.s32 s19, s10;
	[sflag:s11] =	ssyncadd.s32 $0xFFFFF000  }
.Ltmp1:
0x3b: {  	[bflag:$0x0] =	sbarrier.arrive $0xFFFF;
	(pc) =	sbr.rel @p0 .LBB2_1-.Ltmp1, $4  }
0x3c: {  	[hbm:s9], [sflag:s13] =	dma.local [spmem:s14], $0x9E0  }
0x3d: {  	_ =	swait.ge [sflag:s11], $0x9E0  }
0x3e: {  	[sflag:s11] =	ssyncset.done $0x0  }
0x3f: {  	[sflag:s11] =	ssyncadd.s32 $0xFFFFF620  }
0x40: {  	_ =	sfence.sel $0x180000  }
0x41: {  	[bflag:$0x0] =	sbarrier.arrive $0xFFFF  }
0x42: {  	p0 =	sne.s32 s0, $0x0;
	_ =	strace $0x9000004D  }
0x43: {  	s0 =	sadd.s32 @!p0 $0x100000, s1;
	[bflag:$0x2] =	sbarrier.arrive $0xFFFF  }
0x44: {  	[sflag:s0] =	ssyncadd.tile.s32 @!p0 $0x1;
	_ =	shalt  }
.Lfunc_end2:
_tile_overlayer_lowered:
.L_overlay_start_2:
0x45: {  	(tag) =	ssettag $0x2  }
0x46: {  	s0 =	rddreg [dreg:$0x0];
	s2 =	stileid.u32  }
0x47: {  	s1 =	rddreg [dreg:$0x1];
	p0 =	sne.s32 s2, $0x0  }
0x48: {  	s3 =	rddreg [dreg:$0x2];
	[bflag:$0x3] =	sbarrier.arrive $0xFFFF;
	s2 =	simm.s32 @!p0 $0x1C02  }
0x49: {  	[timem:s3], [sflag:s2] =	dma.local @!p0 [hbm:s0], s1  }
0x4a: {  	s0 =	simm.s32 @!p0 $0x2  }
0x4b: {  	_ =	swait.ge @!p0 [sflag:s0], s1  }
0x4c: {  	s1 =	ssub.s32 @!p0 $0x0, s1;
	[sflag:s0] =	ssyncset.done @!p0 $0x0  }
0x4d: {  	[sflag:s0] =	ssyncadd.s32 @!p0 s1  }
0x4e: {  	[bflag:$0x3] =	sbarrier.arrive $0xFFFF  }
0x4f: {  	_ =	shalt  }

// kernel: kernel.8.cloned.1.call-start
scs
__scs_entry_jumppad:
0x0: {  	(pc) =	sbr.rel $0x88, $3  }
0x1: {  	(tag) =	ssettag $0x0;
	lr =	simm.s32 $0x1  }
0x2: {  	[smem:$0x3F9B] =	sst lr;
	_ =	strace $0xD0000000  }
0x3: {  	_ = 	snop  }
0x4: {  	_ = 	snop  }
0x5: {  	_ = 	snop  }
0x6: {  	_ = 	snop  }
0x7: {  	_ = 	snop  }
__scs_overlays_trampoline_lowered:
0x8: {  	[smem:$0x3FAA] =	sst s0  }
0x9: {  	[smem:$0x3FAB] =	sst s1  }
0xa: {  	[smem:$0x3FAC] =	sst s2  }
0xb: {  	[smem:$0x3FAD] =	sst s3  }
0xc: {  	[smem:$0x3FAE] =	sst s4  }
0xd: {  	[smem:$0x3FAF] =	sst s5  }
0xe: {  	[smem:$0x3FB0] =	sst s6  }
0xf: {  	[smem:$0x3FB1] =	sst s7  }
0x10: {  	[smem:$0x3FB2] =	sst s8  }
0x11: {  	[smem:$0x3FB3] =	sst s9;
	s0 =	simm.s32 @!p0 $0x0  }
0x12: {  	s1 =	sld [smem:$0x3F99];
	s0 =	simm.s32 @p0 $0x1  }
0x13: {  	[smem:$0x3FB4] =	sst s0;
	s0 =	simm.s32 @!p1 $0x0  }
0x14: {  	s2 =	sld [smem:$0x3F98];
	s0 =	simm.s32 @p1 $0x1  }
0x15: {  	[smem:$0x3FB5] =	sst s0;
	s0 =	simm.s32 @!p2 $0x0  }
0x16: {  	s3 =	sld [smem:$0x3FDB];
	s0 =	simm.s32 @p2 $0x1  }
0x17: {  	s4 =	simm.s32 $0x1BF5;
	[smem:$0x3FB7] =	sst s0  }
0x18: {  	s0 =	sld [smem:$0x3F9A];
	_ =	swait.ge [sflag:s4], $0x0  }
0x19: {  	s7 =	sld [smem:$0x3F9B]  }
0x1a: {  	s8 =	sadd.s32 $0xFFFFE003, lr  }
0x1b: {  	s9 =	sadd.s32 $0xFFFFFEF7, lr;
	s5 =	simm.s32 $0xFFFFFFFF;
	p2 =	slt.u32 s8, $0xFFFFF086  }
0x1c: {  	p1 =	slt.u32 s9, $0xF7A;
	s5 =	simm.s32 @!p2 $0x0  }
0x1d: {  	s5 =	simm.s32 @p1 $0x1;
	p0 =	seq.s32 s7, s2  }
0x1e: {  	s7 =	smul.u32 @!p0 $0xF7A, s2;
	p2 =	seq.s32 @!p0 s5, $0x0  }
0x1f: {  	s9 =	smul.u32 $0xF7A, s1;
	s8 =	simm.s32 @!p0 $0x1BF5;
	p2 =	por !p2, p0  }
0x20: {  	[sflag:s8] =	ssyncset.s32 @!p0 $0xFFFFF086;
	s6 =	sadd.s32 @!p0 s3, s7;
	s7 =	simm.s32 @!p0 $0x108  }
0x21: {  	s3 =	sadd.s32 s3, s9;
	s6 =	sadd.s32 @!p0 $0x88, s6;
	s7 =	simm.s32 @p2 $0x1082  }
0x22: {  	[simem:s7], [sflag:s8] =	dma.local @!p0 [hbm:s6], $0xF7A  }
0x23: {  	s9 =	sor.u32 $0xD0000000, s2;
	s6 =	simm.s32 $0x108;
	_ =	swait.ge @!p0 [sflag:s8], $0x0  }
0x24: {  	s3 =	sadd.s32 $0x88, s3;
	s6 =	simm.s32 @!p1 $0x1082;
	[sflag:s4] =	ssyncset.s32 $0xFFFFF086  }
0x25: {  	[simem:s6], [sflag:s4] =	dma.local [hbm:s3], $0xF7A  }
0x26: {  	[smem:$0x3F9B] =	sst s1;
	(tag) =	ssettag s2;
	_ =	strace s9  }
0x27: {  	s1 =	sld [smem:$0x3FAB]  }
0x28: {  	s2 =	sld [smem:$0x3FAC]  }
0x29: {  	s4 =	sld [smem:$0x3FAE]  }
0x2a: {  	p0 =	seq.s32 s5, $0x0;
	s5 =	sld [smem:$0x3FAF]  }
0x2b: {  	s6 =	sld [smem:$0x3FB0]  }
0x2c: {  	s7 =	sld [smem:$0x3FB1]  }
0x2d: {  	s3 =	simm.s32 $0x108;
	s8 =	sld [smem:$0x3FB2]  }
0x2e: {  	s3 =	simm.s32 @!p0 $0x1082;
	s9 =	sld [smem:$0x3FB3]  }
0x2f: {  	lr =	sadd.s32 s0, s3;
	s0 =	sld [smem:$0x3FAA]  }
0x30: {  	s3 =	sld [smem:$0x3FAD]  }
0x31: {  	[smem:$0x3FB6] =	sst s10  }
0x32: {  	s10 =	sld [smem:$0x3FB4];
	_ =	sdelay $0x3  }
0x33: {  	p0 =	seq.s32 s10, $0x1;
	s10 =	sld [smem:$0x3FB6];
	_ =	sdelay $0x3  }
0x34: {  	[smem:$0x3FB6] =	sst s10  }
0x35: {  	s10 =	sld [smem:$0x3FB5];
	_ =	sdelay $0x3  }
0x36: {  	p1 =	seq.s32 s10, $0x1;
	s10 =	sld [smem:$0x3FB6];
	_ =	sdelay $0x3  }
0x37: {  	[smem:$0x3FB6] =	sst s10  }
0x38: {  	s10 =	sld [smem:$0x3FB7]  }
0x39: {  	_ = 	snop;
	(pc) =	sbr.ind lr, $3  }
0x3a: {  	_ = 	snop  }
0x3b: {  	_ = 	snop  }
0x3c: {  	p2 =	seq.s32 s10, $0x1;
	s10 =	sld [smem:$0x3FB6]  }
0x3d: {  	_ =	shalt  }
0x3e: {  	_ =	shalt  }
0x3f: {  	_ =	shalt  }
0x40: {  	_ =	shalt  }
0x41: {  	_ =	shalt  }
0x42: {  	_ =	shalt  }
0x43: {  	_ =	shalt  }
0x44: {  	_ =	shalt  }
0x45: {  	_ =	shalt  }
0x46: {  	_ =	shalt  }
0x47: {  	_ =	shalt  }
0x48: {  	_ =	shalt  }
0x49: {  	_ =	shalt  }
0x4a: {  	_ =	shalt  }
0x4b: {  	_ =	shalt  }
0x4c: {  	_ =	shalt  }
0x4d: {  	_ =	shalt  }
0x4e: {  	_ =	shalt  }
0x4f: {  	_ =	shalt  }
0x50: {  	_ =	shalt  }
0x51: {  	_ =	shalt  }
0x52: {  	_ =	shalt  }
0x53: {  	_ =	shalt  }
0x54: {  	_ =	shalt  }
0x55: {  	_ =	shalt  }
0x56: {  	_ =	shalt  }
0x57: {  	_ =	shalt  }
0x58: {  	_ =	shalt  }
0x59: {  	_ =	shalt  }
0x5a: {  	_ =	shalt  }
0x5b: {  	_ =	shalt  }
0x5c: {  	_ =	shalt  }
0x5d: {  	_ =	shalt  }
0x5e: {  	_ =	shalt  }
0x5f: {  	_ =	shalt  }
0x60: {  	_ =	shalt  }
0x61: {  	_ =	shalt  }
0x62: {  	_ =	shalt  }
0x63: {  	_ =	shalt  }
0x64: {  	_ =	shalt  }
0x65: {  	_ =	shalt  }
0x66: {  	_ =	shalt  }
0x67: {  	_ =	shalt  }
0x68: {  	_ =	shalt  }
0x69: {  	_ =	shalt  }
0x6a: {  	_ =	shalt  }
0x6b: {  	_ =	shalt  }
0x6c: {  	_ =	shalt  }
0x6d: {  	_ =	shalt  }
0x6e: {  	_ =	shalt  }
0x6f: {  	_ =	shalt  }
0x70: {  	_ =	shalt  }
0x71: {  	_ =	shalt  }
0x72: {  	_ =	shalt  }
0x73: {  	_ =	shalt  }
0x74: {  	_ =	shalt  }
0x75: {  	_ =	shalt  }
0x76: {  	_ =	shalt  }
0x77: {  	_ =	shalt  }
0x78: {  	_ =	shalt  }
0x79: {  	_ =	shalt  }
0x7a: {  	_ =	shalt  }
0x7b: {  	_ =	shalt  }
0x7c: {  	_ =	shalt  }
0x7d: {  	_ =	shalt  }
0x7e: {  	_ =	shalt  }
0x7f: {  	_ =	shalt  }
0x80: {  	_ =	shalt  }
0x81: {  	_ =	shalt  }
0x82: {  	_ =	shalt  }
0x83: {  	_ =	shalt  }
0x84: {  	_ =	shalt  }
0x85: {  	_ =	shalt  }
0x86: {  	_ =	shalt  }
0x87: {  	_ =	shalt  }
.Lfunc_end0:
.L_simem_size_0:
called_computation_lowered:
.L_overlay_start_0:
0x88: {  	s2 =	sld [smem:$0x3FD9]  }
0x89: {  	s3 =	sld [smem:$0x3FFE];
	_ =	sdelay $0x1  }
0x8a: {  	s1 =	srdreg.scid  }
0x8b: {  	s0 =	sand.u32 $0x1, s1  }
0x8c: {  	s16 =	sshll.u32 s0, $0xA;
	s2 =	sadd.s32 s3, s2  }
0x8d: {  	s2 =	sadd.s32 s2, s16  }
0x8e: {  	[smem:$0x3FC2] =	sst s2  }
0x8f: {  	_ = 	snop  }
0x90: {  	(tm) =	ssettm $0x1  }
0x91: {  	s17 =	sld [smem:$0x3FFB];
	_ =	sdelay $0x3  }
0x92: {  	_ =	strace s17  }
0x93: {  	s2 =	sld [smem:$0x3FFC];
	_ =	sdelay $0x3  }
0x94: {  	_ =	strace s2  }
0x95: {  	s2 =	sld [smem:$0x3FFD];
	_ =	sdelay $0x3  }
0x96: {  	_ =	strace s2  }
0x97: {  	_ =	strace $0x8FFFFFFF  }
0x98: {  	s18 =	sld [smem:$0x3FDB];
	_ =	sdelay $0x1  }
0x99: {  	s19 =	simm.s32 $_scs_section_size  }
0x9a: {  	s4 =	simm.s32 $_size__tile_overlayer_lowered;
	s5 =	simm.s32 $_tile_overlayer_lowered  }
0x9b: {  	s22 =	simm.s32 $0x1BFF;
	s21 =	sshll.u32 s5, $0x1;
	s2 =	sadd.s32 s19, s18  }
0x9c: {  	s6 =	simm.s32 $0x0;
	s20 =	sshll.u32 s4, $0x1;
	s4 =	sadd.s32 s21, s2  }
0x9d: {  	[timem:s6], [sflag:s22] =	dma.local [hbm:s4], s20  }
0x9e: {  	_ =	swait.ge [sflag:s22], s20  }
0x9f: {  	s3 =	ssub.s32 $0x0, s20;
	[sflag:s22] =	ssyncset.done $0x0  }
0xa0: {  	[sflag:s22] =	ssyncadd.s32 s3;
	_ =	sdelay $0x1  }
0xa1: {  	s23 =	simm.s32 $0x1B8B  }
0xa2: {  	_ =	swait.ge [sflag:s23], $0x1  }
0xa3: {  	[sflag:s23] =	ssyncset.done $0x0  }
0xa4: {  	s25 =	simm.s32 $0x1B8E;
	s24 =	sld [smem:$0x3FFE];
	[sflag:s23] =	ssyncadd.s32 $0xFFFFFFFF  }
0xa5: {  	s26 =	simm.s32 $execute0_lowered;
	[smem:$0x3FD2] =	sst s25  }
0xa6: {  	s4 =	sshll.u32 s26, $0x1;
	_ =	strace $0x80000046;
	[dreg:$0x1] =	wrdreg $0xFFFFFFFF  }
0xa7: {  	s28 =	simm.s32 $_size_execute0_lowered;
	s2 =	sadd.s32 s2, s4;
	[dreg:$0x0] =	wrdreg $0x0  }
0xa8: {  	s4 =	sshll.u32 s28, $0x1;
	[dreg:$0x2] =	wrdreg s2  }
0xa9: {  	[dreg:$0x3] =	wrdreg s4  }
0xaa: {  	[dreg:$0x4] =	wrdreg $0xC0  }
0xab: {  	_ =	task [dreg:s6], $0x5FFFF  }
0xac: {  	[dreg:$0x1] =	wrdreg $0xFFFFFFFF  }
0xad: {  	[dreg:$0x0] =	wrdreg $0x60  }
0xae: {  	[dreg:$0x2] =	wrdreg s24  }
0xaf: {  	[dreg:$0x3] =	wrdreg $0x2B800  }
0xb0: {  	[dreg:$0x4] =	wrdreg $0x9  }
0xb1: {  	_ =	task.clear_ibuf [dreg:s6], $0x5FFFF;
	_ =	strace $0x90000046  }
0xb2: {  	s29 =	simm.s32 $0x9;
	_ =	strace $0x80000048  }
0xb3: {  	_ =	swait.ge [sflag:s29], $0x1  }
0xb4: {  	[sflag:s29] =	ssyncadd.s32 $0xFFFFFFFF  }
0xb5: {  	_ =	strace $0x90000048  }
0xb6: {  	_ =	sfence  }
0xb7: {  	s30 =	sld [smem:$0x0];
	_ =	sdelay $0x2  }
0xb8: {  	s31 =	sshll.u32 s1, $0xD;
	s1 =	sshrl.u32 s1, $0x2  }
0xb9: {  	s3 =	sand.u32 $0x4000, s31;
	s1 =	sadd.s32 s1, s30  }
0xba: {  	s0 =	sor.u32 s3, s0;
	s1 =	sshll.u32 s1, $0x11  }
0xbb: {  	s0 =	sor.u32 s1, s0  }
0xbc: {  	s0 =	sadd.s32 $0x8F2B, s0  }
0xbd: {  	[sflag:s0] =	ssyncadd.remote.s32 $0x1  }
0xbe: {  	_ =	sfence.sel $0xFFFF  }
0xbf: {  	[dreg:$0x0] =	wrdreg $0xFFFFFFFF;
	(pc) =	sbr.abs _section_cstart, $3  }
0xc0: {  	[dreg:$0x1] =	wrdreg $0xFFFFFFFF  }
0xc1: {  	_ =	task.clear_ibuf [dreg:s6], $0x2FFFF;
	_ =	strace $0x9FFFFFFF  }
0xc2: {  	(tm) =	ssettm $0x7FFFFFFF  }
0xc3: {  	_ =	shalt  }
tec
execute0_lowered:
.L_overlay_start_1:
0x0: {  	(tag) =	ssettag $0x1  }
0x1: {  	s1 =	srdreg.scid  }
0x2: {  	s0 =	stileid.u32;
	s6 =	rddreg [dreg:$0x0]  }
0x3: {  	s2 =	rddreg [dreg:$0x1];
	s3 =	simm.s32 $0x0;
	s13 =	simm.s32 $0x80  }
0x4: {  	s14 =	simm.s32 $0x0;
	s5 =	sand.u32 $0x1, s1;
	s30 =	sshll.u32 s0, $0x1  }
0x5: {  	s7 =	smul.u32 $0x13C0, s0;
	[smem:$0x7FF] =	sst s3;
	s31 =	sshll.u32 s0, $0x6  }
0x6: {  	s1 =	sor.u32 s5, s30;
	s8 =	smul.u32 $0x13C00, s5;
	s5 =	ssub.s32 $0x2, s5  }
0x7: {  	s4 =	smul.u32 $0x4F0, s1;
	s1 =	rddreg [dreg:$0x2];
	_ =	strace $0x80000047  }
0x8: {  	s10 =	sshrl.u32 s7, $0x3;
	s11 =	sshrl.u32 s5, $0x1;
	s12 =	sadd.s32 s7, s2  }
0x9: {  	s8 =	sadd.s32 s7, s8;
	s10 =	sadd.s32 s10, s6;
	s11 =	ssub.s32 s5, s11  }
0xa: {  	s12 =	sshrl.u32 s12, $0x3;
	s9 =	sadd.s32 s4, s6;
	s8 =	sshrl.u32 s8, $0x3  }
0xb: {  	s4 =	sadd.s32 $0xE200, s6;
	s8 =	sadd.s32 s8, s6;
	s5 =	sadd.s32 $0x1C00, s9  }
0xc: {  	s6 =	sadd.s32 $0xBA00, s10;
	s9 =	simm.s32 $0x1;
	s10 =	simm.s32 $0x2780  }
0xd: {  	s7 =	sadd.s32 $0xE400, s8;
	s8 =	smax.u32 s11, $0x1;
	s11 =	sor.u32 $0x1C01, s31  }
.LBB2_1:
0xe: {  	[tilespmem:s3], [sflag:$0x1] =	stream.linear.gather [hbm4b:s5+s3], $0x2780, $0x38;
	[tilespmem:$0x3F40] =	vst v63  }
0xf: {  	_ =	swait.ge [sflag:s9], $0x2780  }
0x10: {  	[sflag:s9] =	ssyncset.done $0x0  }
0x11: {  	[sflag:s9] =	ssyncadd.s32 $0xFFFFD880  }
0x12: {  	[tilespmem:s10], [sflag:$0x1] =	stream.linear.gather [hbm4b:s4+s3], $0x400, $0x38;
	[tilespmem:$0x3F40] =	vst v63  }
0x13: {  	_ =	swait.ge [sflag:s9], $0x400  }
0x14: {  	[sflag:s9] =	ssyncset.done $0x0  }
0x15: {  	[sflag:s9] =	ssyncadd.s32 $0xFFFFFC00  }
0x16: {  	[spmem:s12], [sflag:s11] =	dma.local [hbm:s6], $0x278  }
0x17: {  	_ =	swait.ge [sflag:s9], $0x278  }
0x18: {  	[sflag:s9] =	ssyncset.done $0x0  }
0x19: {  	[sflag:s9] =	ssyncadd.s32 $0xFFFFFD88  }
0x1a: {  	s15 =	simm.s32 $0x0;
	[bflag:$0x0] =	sbarrier.arrive $0xFFFF  }
0x1b: {  	[spmem:s2] =	stream.indirect.scatter.add.f32 [tilespmem:s10], [sflag:$0x1], $0x8, s15, s13, $0xb8;
	[tilespmem:$0x3F40] =	vst v63  }
0x1c: {  	_ =	swait.ge [sflag:s9], $0x400  }
0x1d: {  	s15 =	simm.s32 $0x200;
	[sflag:s9] =	ssyncset.done $0x0  }
.LBB2_2:
0x1e: {  	s16 =	sshra.s32 s15, $0x2;
	[sflag:s9] =	ssyncadd.s32 $0xFFFFFC00;
	p0 =	sne.s32 s15, $0x9C00  }
0x1f: {  	[spmem:s2] =	stream.indirect.scatter.add.f32 [tilespmem:s10], [sflag:$0x1], $0x8, s16, s13, $0xb8;
	[tilespmem:$0x3F40] =	vst v63  }
.Ltmp0:
0x20: {  	_ = 	snop;
	(pc) =	sbr.rel @p0 .LBB2_2-.Ltmp0, $4  }
0x21: {  	_ = 	snop  }
0x22: {  	s15 =	sadd.s32 $0x200, s15  }
0x23: {  	_ =	swait.ge [sflag:s9], $0x400  }
0x24: {  	[sflag:s9] =	ssyncset.done $0x0  }
0x25: {  	s14 =	sadd.s32 $0x1, s14  }
0x26: {  	[sflag:s9] =	ssyncadd.s32 $0xFFFFFC00;
	p0 =	sne.s32 s14, s8  }
.Ltmp1:
0x27: {  	[bflag:$0x0] =	sbarrier.arrive $0xFFFF;
	(pc) =	sbr.rel @p0 .LBB2_1-.Ltmp1, $4  }
0x28: {  	[hbm:s7], [sflag:s11] =	dma.local [spmem:s12], $0x278  }
0x29: {  	_ =	swait.ge [sflag:s9], $0x278  }
0x2a: {  	[sflag:s9] =	ssyncset.done $0x0  }
0x2b: {  	[sflag:s9] =	ssyncadd.s32 $0xFFFFFD88  }
0x2c: {  	_ =	sfence.sel $0x180000  }
0x2d: {  	[bflag:$0x0] =	sbarrier.arrive $0xFFFF  }
0x2e: {  	p0 =	sne.s32 s0, $0x0;
	_ =	strace $0x90000047  }
0x2f: {  	s0 =	sadd.s32 @!p0 $0x100000, s1;
	[bflag:$0x2] =	sbarrier.arrive $0xFFFF  }
0x30: {  	[sflag:s0] =	ssyncadd.tile.s32 @!p0 $0x1;
	_ =	shalt  }
.Lfunc_end2:
_tile_overlayer_lowered:
.L_overlay_start_2:
0x31: {  	(tag) =	ssettag $0x2  }
0x32: {  	s0 =	rddreg [dreg:$0x0];
	s2 =	stileid.u32  }
0x33: {  	s1 =	rddreg [dreg:$0x1];
	p0 =	sne.s32 s2, $0x0  }
0x34: {  	s3 =	rddreg [dreg:$0x2];
	[bflag:$0x3] =	sbarrier.arrive $0xFFFF;
	s2 =	simm.s32 @!p0 $0x1C01  }
0x35: {  	[timem:s3], [sflag:s2] =	dma.local @!p0 [hbm:s0], s1  }
0x36: {  	s0 =	simm.s32 @!p0 $0x1  }
0x37: {  	_ =	swait.ge @!p0 [sflag:s0], s1  }
0x38: {  	s1 =	ssub.s32 @!p0 $0x0, s1;
	[sflag:s0] =	ssyncset.done @!p0 $0x0  }
0x39: {  	[sflag:s0] =	ssyncadd.s32 @!p0 s1  }
0x3a: {  	[bflag:$0x3] =	sbarrier.arrive $0xFFFF  }
0x3b: {  	_ =	shalt  }

</sc_bundles>
